<compile_context>
chip_gen: v7x
topology: tpu7x:2x2x1
jax: 0.10.2.dev20260603
libtpu: 0.0.44.dev20260713+nightly
codegen_flags: <defaults>
</compile_context>

<pallas_src>
import functools

import jax
import jax.numpy as jnp
from jax import lax
from jax.experimental import pallas as pl
from jax.experimental.pallas import tpu as pltpu
from jax.experimental.pallas import tpu_sc as plsc

NUM_CLASSES = 26
BATCH = 16384
_NC = 2
_NS = 16
_L = 16
_NW = _NC * _NS
_B_PER_W = BATCH // _NW
_N_CHUNK = _B_PER_W // _L

_mesh = plsc.VectorSubcoreMesh(core_axis_name="c", subcore_axis_name="s")


@functools.partial(
    pl.kernel,
    mesh=_mesh,
    out_type=jax.ShapeDtypeStruct((NUM_CLASSES, BATCH), jnp.float32),
    scratch_types=[
        pltpu.VMEM((_B_PER_W,), jnp.int32),
        pltpu.VMEM((NUM_CLASSES, _B_PER_W), jnp.float32),
        pltpu.SemaphoreType.DMA,
        pltpu.SemaphoreType.DMA,
        pltpu.SemaphoreType.DMA,
    ],
    compiler_params=pltpu.CompilerParams(needs_layout_passes=False),
)
def _one_hot_sc(idx_hbm, out_hbm, idx_v, buf_v, sem, sem_idx, sem_idx2):
    wid = lax.axis_index("s") * _NC + lax.axis_index("c")
    col0 = wid * _B_PER_W
    half = _B_PER_W // 2

    cpi0 = pltpu.make_async_copy(
        idx_hbm.at[pl.ds(col0, half)], idx_v.at[pl.ds(0, half)], sem_idx
    )
    cpi0.start()
    cpi1 = pltpu.make_async_copy(
        idx_hbm.at[pl.ds(col0 + half, half)],
        idx_v.at[pl.ds(half, half)],
        sem_idx2,
    )
    cpi1.start()

    ones = jnp.ones((_L,), jnp.float32)
    zeros = jnp.zeros((_L,), jnp.float32)

    def chunk_body(k, carry):
        c = k * _L
        idx16 = idx_v[pl.ds(c, _L)]
        for r in range(NUM_CLASSES):
            buf_v[r, pl.ds(c, _L)] = jnp.where(idx16 == r, ones, zeros)
        return carry

    cpi0.wait()
    lax.fori_loop(0, _N_CHUNK // 2, chunk_body, 0, unroll=1)
    cp0 = pltpu.make_async_copy(
        buf_v.at[:, pl.ds(0, half)], out_hbm.at[:, pl.ds(col0, half)], sem
    )
    cp0.start()
    cpi1.wait()
    lax.fori_loop(_N_CHUNK // 2, _N_CHUNK, chunk_body, 0, unroll=1)
    cp1 = pltpu.make_async_copy(
        buf_v.at[:, pl.ds(half, half)],
        out_hbm.at[:, pl.ds(col0 + half, half)],
        sem,
    )
    cp1.start()
    cp0.wait()
    cp1.wait()


def kernel(x_idx, eye):
    del eye
    return _one_hot_sc(x_idx.astype(jnp.int32)).T

# --- scband reference (transcript-rebuilt; emitter-appended) ---
"""Pipeline reference for scband-one-of-60696477827728 (READ-ONLY COPY).

The authoritative reference and input builder live on the scoring server;
editing this copy changes nothing except your own understanding.
"""

import jax, jax.numpy as jnp
import numpy as np

NUM_CHOICES = 26
BATCH = 16384

def setup_inputs(seed: int = 0) -> dict:
    key = jax.random.key(seed)
    x_idx = jax.random.randint(key, (BATCH,), 0, NUM_CHOICES, dtype=jnp.int64 if jax.config.jax_enable_x64 else jnp.int32)
    # Identity 'codebook' so one_hot is expressed as an embedding gather
    eye = jnp.eye(NUM_CHOICES, dtype=jnp.float32)
    return {"x_idx": x_idx, "eye": eye}

def reference(x_idx, eye):
    # Original: torch.nn.functional.one_hot([choices.index(xb) for xb in x], len(choices))
    # The string->index lookup is modeled as the precomputed integer indices x_idx.
    # one_hot(idx, K) == gather rows of identity matrix -> embedding-style lookup.
    out = jnp.take(eye, x_idx, axis=0)
    return out

if __name__ == "__main__":
    import jax
    _d = setup_inputs()
    print(jax.jit(kernel)(*tuple(_d.values())))

</pallas_src>

<mosaic_0001>
#map = affine_map<(d0, d1) -> (0)>
#map1 = affine_map<(d0, d1) -> (0, 0)>
module attributes {stable_mosaic.version = 14 : i64} {
  func.func @_one_hot_sc(%arg0: i32, %arg1: i32, %arg2: memref<16384xi32, #tpu.memory_space<hbm>>, %arg3: memref<26x16384xf32, #tpu.memory_space<hbm>>, %arg4: memref<512xi32, #tpu.memory_space<vmem>>, %arg5: memref<26x512xf32, #tpu.memory_space<vmem>>, %arg6: memref<!tpu.dma_semaphore, #tpu.memory_space<semaphore_mem>>, %arg7: memref<!tpu.dma_semaphore, #tpu.memory_space<semaphore_mem>>, %arg8: memref<!tpu.dma_semaphore, #tpu.memory_space<semaphore_mem>>) attributes {dimension_semantics = [#tpu.dimension_semantics<core_parallel>, #tpu.dimension_semantics<subcore_parallel>], iteration_bounds = array<i64: 2, 16>, scalar_prefetch = 0 : i64, scratch_operands = 5 : i64, tpu.core_type = #tpu.core_type<sc_vector_subcore>, window_params = [{transform_indices = #map}, {transform_indices = #map1}]} {
    %mul3A = arith.constant 2 : i32
    %mul3A_0 = arith.muli %arg1, %mul3A : i32
    %add3A = arith.addi %mul3A_0, %arg0 : i32
    %mul3A_1 = arith.constant 512 : i32
    %mul3A_2 = arith.muli %add3A, %mul3A_1 : i32
    %dma_start3A = arith.constant 0 : i32
    %dma_start3A_3 = tpu.memref_slice %arg4[%dma_start3A] : memref<512xi32, #tpu.memory_space<vmem>> -> memref<256xi32, #tpu.memory_space<vmem>>
    %dma_start3A_4 = tpu.memref_slice %arg2[%mul3A_2] : memref<16384xi32, #tpu.memory_space<hbm>> -> memref<256xi32, #tpu.memory_space<hbm>>
    %dma_start3A_5 = arith.constant 0 : i32
    %dma_start3A_6 = tpu.memref_slice %arg4[%dma_start3A_5] : memref<512xi32, #tpu.memory_space<vmem>> -> memref<256xi32, #tpu.memory_space<vmem>>
    %dma_start3A_7 = tpu.memref_slice %arg2[%mul3A_2] : memref<16384xi32, #tpu.memory_space<hbm>> -> memref<256xi32, #tpu.memory_space<hbm>>
    tpu.enqueue_dma source(%dma_start3A_7 : memref<256xi32, #tpu.memory_space<hbm>>) target(%dma_start3A_6 : memref<256xi32, #tpu.memory_space<vmem>>) target_semaphore(%arg7 : memref<!tpu.dma_semaphore, #tpu.memory_space<semaphore_mem>>)
    %add3A_8 = arith.constant 256 : i32
    %add3A_9 = arith.addi %mul3A_2, %add3A_8 : i32
    %dma_start3A_10 = arith.constant 256 : i32
    %dma_start3A_11 = tpu.memref_slice %arg4[%dma_start3A_10] : memref<512xi32, #tpu.memory_space<vmem>> -> memref<256xi32, #tpu.memory_space<vmem>>
    %dma_start3A_12 = tpu.memref_slice %arg2[%add3A_9] : memref<16384xi32, #tpu.memory_space<hbm>> -> memref<256xi32, #tpu.memory_space<hbm>>
    %dma_start3A_13 = arith.constant 256 : i32
    %dma_start3A_14 = tpu.memref_slice %arg4[%dma_start3A_13] : memref<512xi32, #tpu.memory_space<vmem>> -> memref<256xi32, #tpu.memory_space<vmem>>
    %dma_start3A_15 = tpu.memref_slice %arg2[%add3A_9] : memref<16384xi32, #tpu.memory_space<hbm>> -> memref<256xi32, #tpu.memory_space<hbm>>
    tpu.enqueue_dma source(%dma_start3A_15 : memref<256xi32, #tpu.memory_space<hbm>>) target(%dma_start3A_14 : memref<256xi32, #tpu.memory_space<vmem>>) target_semaphore(%arg8 : memref<!tpu.dma_semaphore, #tpu.memory_space<semaphore_mem>>)
    %broadcast_in_dim3A = arith.constant 1.000000e+00 : f32
    %broadcast_in_dim3A_16 = vector.broadcast %broadcast_in_dim3A : f32 to vector<16xf32>
    %broadcast_in_dim3A_17 = arith.constant 0.000000e+00 : f32
    %broadcast_in_dim3A_18 = vector.broadcast %broadcast_in_dim3A_17 : f32 to vector<16xf32>
    %dma_wait3A = arith.constant 0 : i32
    %dma_wait3A_19 = tpu.memref_slice %arg4[%dma_wait3A] : memref<512xi32, #tpu.memory_space<vmem>> -> memref<256xi32, #tpu.memory_space<vmem>>
    %dma_wait3A_20 = tpu.memref_slice %arg2[%mul3A_2] : memref<16384xi32, #tpu.memory_space<hbm>> -> memref<256xi32, #tpu.memory_space<hbm>>
    %dma_wait3A_21 = arith.constant 0 : i32
    %dma_wait3A_22 = tpu.memref_slice %arg4[%dma_wait3A_21] : memref<512xi32, #tpu.memory_space<vmem>> -> memref<256xi32, #tpu.memory_space<vmem>>
    %dma_wait3A_23 = tpu.memref_slice %arg2[%mul3A_2] : memref<16384xi32, #tpu.memory_space<hbm>> -> memref<256xi32, #tpu.memory_space<hbm>>
    tpu.wait_dma2 semaphore(%arg7 : memref<!tpu.dma_semaphore, #tpu.memory_space<semaphore_mem>>) src(%dma_wait3A_23 : memref<256xi32, #tpu.memory_space<hbm>>) dst(%dma_wait3A_22 : memref<256xi32, #tpu.memory_space<vmem>>)
    %scan3A = arith.constant 0 : i32
    %scan3A_24 = arith.constant 0 : i32
    %scan3A_25 = arith.constant 16 : i32
    %scan3A_26 = arith.addi %scan3A_24, %scan3A_25 : i32
    %scan3A_27 = arith.constant 1 : i32
    scf.for %scan3A_83 = %scan3A_24 to %scan3A_26 step %scan3A_27  : i32 {
      %mul3A_84 = arith.constant 16 : i32
      %mul3A_85 = arith.muli %scan3A_83, %mul3A_84 : i32
      %get3A = arith.index_cast %mul3A_85 : i32 to index
      %get3A_86 = tpu.vector_load %arg4[%get3A] {strides = array<i32>} : memref<512xi32, #tpu.memory_space<vmem>>, vector<16xi32>,
      %eq3A = arith.constant 0 : i32
      %eq3A_87 = vector.broadcast %eq3A : i32 to vector<16xi32>
      %eq3A_88 = arith.cmpi eq, %get3A_86, %eq3A_87 : vector<16xi32>
      %select_n3A = arith.select %eq3A_88, %broadcast_in_dim3A_16, %broadcast_in_dim3A_18 : vector<16xi1>, vector<16xf32>
      %swap3A = arith.constant 0 : i32
      %swap3A_89 = arith.index_cast %swap3A : i32 to index
      %swap3A_90 = arith.index_cast %mul3A_85 : i32 to index
      %swap3A_91 = tpu.vector_load %arg5[%swap3A_89, %swap3A_90] {strides = array<i32>} : memref<26x512xf32, #tpu.memory_space<vmem>>, vector<16xf32>,
      tpu.vector_store %arg5[%swap3A_89, %swap3A_90], %select_n3A {strides = array<i32>} : memref<26x512xf32, #tpu.memory_space<vmem>>, vector<16xf32>,
      %eq3A_92 = arith.constant 1 : i32
      %eq3A_93 = vector.broadcast %eq3A_92 : i32 to vector<16xi32>
      %eq3A_94 = arith.cmpi eq, %get3A_86, %eq3A_93 : vector<16xi32>
      %select_n3A_95 = arith.select %eq3A_94, %broadcast_in_dim3A_16, %broadcast_in_dim3A_18 : vector<16xi1>, vector<16xf32>
      %swap3A_96 = arith.constant 1 : i32
      %swap3A_97 = arith.index_cast %swap3A_96 : i32 to index
      %swap3A_98 = arith.index_cast %mul3A_85 : i32 to index
      %swap3A_99 = tpu.vector_load %arg5[%swap3A_97, %swap3A_98] {strides = array<i32>} : memref<26x512xf32, #tpu.memory_space<vmem>>, vector<16xf32>,
      tpu.vector_store %arg5[%swap3A_97, %swap3A_98], %select_n3A_95 {strides = array<i32>} : memref<26x512xf32, #tpu.memory_space<vmem>>, vector<16xf32>,
      %eq3A_100 = arith.constant 2 : i32
      %eq3A_101 = vector.broadcast %eq3A_100 : i32 to vector<16xi32>
      %eq3A_102 = arith.cmpi eq, %get3A_86, %eq3A_101 : vector<16xi32>
      %select_n3A_103 = arith.select %eq3A_102, %broadcast_in_dim3A_16, %broadcast_in_dim3A_18 : vector<16xi1>, vector<16xf32>
      %swap3A_104 = arith.constant 2 : i32
      %swap3A_105 = arith.index_cast %swap3A_104 : i32 to index
      %swap3A_106 = arith.index_cast %mul3A_85 : i32 to index
      %swap3A_107 = tpu.vector_load %arg5[%swap3A_105, %swap3A_106] {strides = array<i32>} : memref<26x512xf32, #tpu.memory_space<vmem>>, vector<16xf32>,
      tpu.vector_store %arg5[%swap3A_105, %swap3A_106], %select_n3A_103 {strides = array<i32>} : memref<26x512xf32, #tpu.memory_space<vmem>>, vector<16xf32>,
      %eq3A_108 = arith.constant 3 : i32
      %eq3A_109 = vector.broadcast %eq3A_108 : i32 to vector<16xi32>
      %eq3A_110 = arith.cmpi eq, %get3A_86, %eq3A_109 : vector<16xi32>
      %select_n3A_111 = arith.select %eq3A_110, %broadcast_in_dim3A_16, %broadcast_in_dim3A_18 : vector<16xi1>, vector<16xf32>
      %swap3A_112 = arith.constant 3 : i32
      %swap3A_113 = arith.index_cast %swap3A_112 : i32 to index
      %swap3A_114 = arith.index_cast %mul3A_85 : i32 to index
      %swap3A_115 = tpu.vector_load %arg5[%swap3A_113, %swap3A_114] {strides = array<i32>} : memref<26x512xf32, #tpu.memory_space<vmem>>, vector<16xf32>,
      tpu.vector_store %arg5[%swap3A_113, %swap3A_114], %select_n3A_111 {strides = array<i32>} : memref<26x512xf32, #tpu.memory_space<vmem>>, vector<16xf32>,
      %eq3A_116 = arith.constant 4 : i32
      %eq3A_117 = vector.broadcast %eq3A_116 : i32 to vector<16xi32>
      %eq3A_118 = arith.cmpi eq, %get3A_86, %eq3A_117 : vector<16xi32>
      %select_n3A_119 = arith.select %eq3A_118, %broadcast_in_dim3A_16, %broadcast_in_dim3A_18 : vector<16xi1>, vector<16xf32>
      %swap3A_120 = arith.constant 4 : i32
      %swap3A_121 = arith.index_cast %swap3A_120 : i32 to index
      %swap3A_122 = arith.index_cast %mul3A_85 : i32 to index
      %swap3A_123 = tpu.vector_load %arg5[%swap3A_121, %swap3A_122] {strides = array<i32>} : memref<26x512xf32, #tpu.memory_space<vmem>>, vector<16xf32>,
      tpu.vector_store %arg5[%swap3A_121, %swap3A_122], %select_n3A_119 {strides = array<i32>} : memref<26x512xf32, #tpu.memory_space<vmem>>, vector<16xf32>,
      %eq3A_124 = arith.constant 5 : i32
      %eq3A_125 = vector.broadcast %eq3A_124 : i32 to vector<16xi32>
      %eq3A_126 = arith.cmpi eq, %get3A_86, %eq3A_125 : vector<16xi32>
      %select_n3A_127 = arith.select %eq3A_126, %broadcast_in_dim3A_16, %broadcast_in_dim3A_18 : vector<16xi1>, vector<16xf32>
      %swap3A_128 = arith.constant 5 : i32
      %swap3A_129 = arith.index_cast %swap3A_128 : i32 to index
      %swap3A_130 = arith.index_cast %mul3A_85 : i32 to index
      %swap3A_131 = tpu.vector_load %arg5[%swap3A_129, %swap3A_130] {strides = array<i32>} : memref<26x512xf32, #tpu.memory_space<vmem>>, vector<16xf32>,
      tpu.vector_store %arg5[%swap3A_129, %swap3A_130], %select_n3A_127 {strides = array<i32>} : memref<26x512xf32, #tpu.memory_space<vmem>>, vector<16xf32>,
      %eq3A_132 = arith.constant 6 : i32
      %eq3A_133 = vector.broadcast %eq3A_132 : i32 to vector<16xi32>
      %eq3A_134 = arith.cmpi eq, %get3A_86, %eq3A_133 : vector<16xi32>
      %select_n3A_135 = arith.select %eq3A_134, %broadcast_in_dim3A_16, %broadcast_in_dim3A_18 : vector<16xi1>, vector<16xf32>
      %swap3A_136 = arith.constant 6 : i32
      %swap3A_137 = arith.index_cast %swap3A_136 : i32 to index
      %swap3A_138 = arith.index_cast %mul3A_85 : i32 to index
      %swap3A_139 = tpu.vector_load %arg5[%swap3A_137, %swap3A_138] {strides = array<i32>} : memref<26x512xf32, #tpu.memory_space<vmem>>, vector<16xf32>,
      tpu.vector_store %arg5[%swap3A_137, %swap3A_138], %select_n3A_135 {strides = array<i32>} : memref<26x512xf32, #tpu.memory_space<vmem>>, vector<16xf32>,
      %eq3A_140 = arith.constant 7 : i32
      %eq3A_141 = vector.broadcast %eq3A_140 : i32 to vector<16xi32>
      %eq3A_142 = arith.cmpi eq, %get3A_86, %eq3A_141 : vector<16xi32>
      %select_n3A_143 = arith.select %eq3A_142, %broadcast_in_dim3A_16, %broadcast_in_dim3A_18 : vector<16xi1>, vector<16xf32>
      %swap3A_144 = arith.constant 7 : i32
      %swap3A_145 = arith.index_cast %swap3A_144 : i32 to index
      %swap3A_146 = arith.index_cast %mul3A_85 : i32 to index
      %swap3A_147 = tpu.vector_load %arg5[%swap3A_145, %swap3A_146] {strides = array<i32>} : memref<26x512xf32, #tpu.memory_space<vmem>>, vector<16xf32>,
      tpu.vector_store %arg5[%swap3A_145, %swap3A_146], %select_n3A_143 {strides = array<i32>} : memref<26x512xf32, #tpu.memory_space<vmem>>, vector<16xf32>,
      %eq3A_148 = arith.constant 8 : i32
      %eq3A_149 = vector.broadcast %eq3A_148 : i32 to vector<16xi32>
      %eq3A_150 = arith.cmpi eq, %get3A_86, %eq3A_149 : vector<16xi32>
      %select_n3A_151 = arith.select %eq3A_150, %broadcast_in_dim3A_16, %broadcast_in_dim3A_18 : vector<16xi1>, vector<16xf32>
      %swap3A_152 = arith.constant 8 : i32
      %swap3A_153 = arith.index_cast %swap3A_152 : i32 to index
      %swap3A_154 = arith.index_cast %mul3A_85 : i32 to index
      %swap3A_155 = tpu.vector_load %arg5[%swap3A_153, %swap3A_154] {strides = array<i32>} : memref<26x512xf32, #tpu.memory_space<vmem>>, vector<16xf32>,
      tpu.vector_store %arg5[%swap3A_153, %swap3A_154], %select_n3A_151 {strides = array<i32>} : memref<26x512xf32, #tpu.memory_space<vmem>>, vector<16xf32>,
      %eq3A_156 = arith.constant 9 : i32
      %eq3A_157 = vector.broadcast %eq3A_156 : i32 to vector<16xi32>
      %eq3A_158 = arith.cmpi eq, %get3A_86, %eq3A_157 : vector<16xi32>
      %select_n3A_159 = arith.select %eq3A_158, %broadcast_in_dim3A_16, %broadcast_in_dim3A_18 : vector<16xi1>, vector<16xf32>
      %swap3A_160 = arith.constant 9 : i32
      %swap3A_161 = arith.index_cast %swap3A_160 : i32 to index
      %swap3A_162 = arith.index_cast %mul3A_85 : i32 to index
      %swap3A_163 = tpu.vector_load %arg5[%swap3A_161, %swap3A_162] {strides = array<i32>} : memref<26x512xf32, #tpu.memory_space<vmem>>, vector<16xf32>,
      tpu.vector_store %arg5[%swap3A_161, %swap3A_162], %select_n3A_159 {strides = array<i32>} : memref<26x512xf32, #tpu.memory_space<vmem>>, vector<16xf32>,
      %eq3A_164 = arith.constant 10 : i32
      %eq3A_165 = vector.broadcast %eq3A_164 : i32 to vector<16xi32>
      %eq3A_166 = arith.cmpi eq, %get3A_86, %eq3A_165 : vector<16xi32>
      %select_n3A_167 = arith.select %eq3A_166, %broadcast_in_dim3A_16, %broadcast_in_dim3A_18 : vector<16xi1>, vector<16xf32>
      %swap3A_168 = arith.constant 10 : i32
      %swap3A_169 = arith.index_cast %swap3A_168 : i32 to index
      %swap3A_170 = arith.index_cast %mul3A_85 : i32 to index
      %swap3A_171 = tpu.vector_load %arg5[%swap3A_169, %swap3A_170] {strides = array<i32>} : memref<26x512xf32, #tpu.memory_space<vmem>>, vector<16xf32>,
      tpu.vector_store %arg5[%swap3A_169, %swap3A_170], %select_n3A_167 {strides = array<i32>} : memref<26x512xf32, #tpu.memory_space<vmem>>, vector<16xf32>,
      %eq3A_172 = arith.constant 11 : i32
      %eq3A_173 = vector.broadcast %eq3A_172 : i32 to vector<16xi32>
      %eq3A_174 = arith.cmpi eq, %get3A_86, %eq3A_173 : vector<16xi32>
      %select_n3A_175 = arith.select %eq3A_174, %broadcast_in_dim3A_16, %broadcast_in_dim3A_18 : vector<16xi1>, vector<16xf32>
      %swap3A_176 = arith.constant 11 : i32
      %swap3A_177 = arith.index_cast %swap3A_176 : i32 to index
      %swap3A_178 = arith.index_cast %mul3A_85 : i32 to index
      %swap3A_179 = tpu.vector_load %arg5[%swap3A_177, %swap3A_178] {strides = array<i32>} : memref<26x512xf32, #tpu.memory_space<vmem>>, vector<16xf32>,
      tpu.vector_store %arg5[%swap3A_177, %swap3A_178], %select_n3A_175 {strides = array<i32>} : memref<26x512xf32, #tpu.memory_space<vmem>>, vector<16xf32>,
      %eq3A_180 = arith.constant 12 : i32
      %eq3A_181 = vector.broadcast %eq3A_180 : i32 to vector<16xi32>
      %eq3A_182 = arith.cmpi eq, %get3A_86, %eq3A_181 : vector<16xi32>
      %select_n3A_183 = arith.select %eq3A_182, %broadcast_in_dim3A_16, %broadcast_in_dim3A_18 : vector<16xi1>, vector<16xf32>
      %swap3A_184 = arith.constant 12 : i32
      %swap3A_185 = arith.index_cast %swap3A_184 : i32 to index
      %swap3A_186 = arith.index_cast %mul3A_85 : i32 to index
      %swap3A_187 = tpu.vector_load %arg5[%swap3A_185, %swap3A_186] {strides = array<i32>} : memref<26x512xf32, #tpu.memory_space<vmem>>, vector<16xf32>,
      tpu.vector_store %arg5[%swap3A_185, %swap3A_186], %select_n3A_183 {strides = array<i32>} : memref<26x512xf32, #tpu.memory_space<vmem>>, vector<16xf32>,
      %eq3A_188 = arith.constant 13 : i32
      %eq3A_189 = vector.broadcast %eq3A_188 : i32 to vector<16xi32>
      %eq3A_190 = arith.cmpi eq, %get3A_86, %eq3A_189 : vector<16xi32>
      %select_n3A_191 = arith.select %eq3A_190, %broadcast_in_dim3A_16, %broadcast_in_dim3A_18 : vector<16xi1>, vector<16xf32>
      %swap3A_192 = arith.constant 13 : i32
      %swap3A_193 = arith.index_cast %swap3A_192 : i32 to index
      %swap3A_194 = arith.index_cast %mul3A_85 : i32 to index
      %swap3A_195 = tpu.vector_load %arg5[%swap3A_193, %swap3A_194] {strides = array<i32>} : memref<26x512xf32, #tpu.memory_space<vmem>>, vector<16xf32>,
      tpu.vector_store %arg5[%swap3A_193, %swap3A_194], %select_n3A_191 {strides = array<i32>} : memref<26x512xf32, #tpu.memory_space<vmem>>, vector<16xf32>,
      %eq3A_196 = arith.constant 14 : i32
      %eq3A_197 = vector.broadcast %eq3A_196 : i32 to vector<16xi32>
      %eq3A_198 = arith.cmpi eq, %get3A_86, %eq3A_197 : vector<16xi32>
      %select_n3A_199 = arith.select %eq3A_198, %broadcast_in_dim3A_16, %broadcast_in_dim3A_18 : vector<16xi1>, vector<16xf32>
      %swap3A_200 = arith.constant 14 : i32
      %swap3A_201 = arith.index_cast %swap3A_200 : i32 to index
      %swap3A_202 = arith.index_cast %mul3A_85 : i32 to index
      %swap3A_203 = tpu.vector_load %arg5[%swap3A_201, %swap3A_202] {strides = array<i32>} : memref<26x512xf32, #tpu.memory_space<vmem>>, vector<16xf32>,
      tpu.vector_store %arg5[%swap3A_201, %swap3A_202], %select_n3A_199 {strides = array<i32>} : memref<26x512xf32, #tpu.memory_space<vmem>>, vector<16xf32>,
      %eq3A_204 = arith.constant 15 : i32
      %eq3A_205 = vector.broadcast %eq3A_204 : i32 to vector<16xi32>
      %eq3A_206 = arith.cmpi eq, %get3A_86, %eq3A_205 : vector<16xi32>
      %select_n3A_207 = arith.select %eq3A_206, %broadcast_in_dim3A_16, %broadcast_in_dim3A_18 : vector<16xi1>, vector<16xf32>
      %swap3A_208 = arith.constant 15 : i32
      %swap3A_209 = arith.index_cast %swap3A_208 : i32 to index
      %swap3A_210 = arith.index_cast %mul3A_85 : i32 to index
      %swap3A_211 = tpu.vector_load %arg5[%swap3A_209, %swap3A_210] {strides = array<i32>} : memref<26x512xf32, #tpu.memory_space<vmem>>, vector<16xf32>,
      tpu.vector_store %arg5[%swap3A_209, %swap3A_210], %select_n3A_207 {strides = array<i32>} : memref<26x512xf32, #tpu.memory_space<vmem>>, vector<16xf32>,
      %eq3A_212 = arith.constant 16 : i32
      %eq3A_213 = vector.broadcast %eq3A_212 : i32 to vector<16xi32>
      %eq3A_214 = arith.cmpi eq, %get3A_86, %eq3A_213 : vector<16xi32>
      %select_n3A_215 = arith.select %eq3A_214, %broadcast_in_dim3A_16, %broadcast_in_dim3A_18 : vector<16xi1>, vector<16xf32>
      %swap3A_216 = arith.constant 16 : i32
      %swap3A_217 = arith.index_cast %swap3A_216 : i32 to index
      %swap3A_218 = arith.index_cast %mul3A_85 : i32 to index
      %swap3A_219 = tpu.vector_load %arg5[%swap3A_217, %swap3A_218] {strides = array<i32>} : memref<26x512xf32, #tpu.memory_space<vmem>>, vector<16xf32>,
      tpu.vector_store %arg5[%swap3A_217, %swap3A_218], %select_n3A_215 {strides = array<i32>} : memref<26x512xf32, #tpu.memory_space<vmem>>, vector<16xf32>,
      %eq3A_220 = arith.constant 17 : i32
      %eq3A_221 = vector.broadcast %eq3A_220 : i32 to vector<16xi32>
      %eq3A_222 = arith.cmpi eq, %get3A_86, %eq3A_221 : vector<16xi32>
      %select_n3A_223 = arith.select %eq3A_222, %broadcast_in_dim3A_16, %broadcast_in_dim3A_18 : vector<16xi1>, vector<16xf32>
      %swap3A_224 = arith.constant 17 : i32
      %swap3A_225 = arith.index_cast %swap3A_224 : i32 to index
      %swap3A_226 = arith.index_cast %mul3A_85 : i32 to index
      %swap3A_227 = tpu.vector_load %arg5[%swap3A_225, %swap3A_226] {strides = array<i32>} : memref<26x512xf32, #tpu.memory_space<vmem>>, vector<16xf32>,
      tpu.vector_store %arg5[%swap3A_225, %swap3A_226], %select_n3A_223 {strides = array<i32>} : memref<26x512xf32, #tpu.memory_space<vmem>>, vector<16xf32>,
      %eq3A_228 = arith.constant 18 : i32
      %eq3A_229 = vector.broadcast %eq3A_228 : i32 to vector<16xi32>
      %eq3A_230 = arith.cmpi eq, %get3A_86, %eq3A_229 : vector<16xi32>
      %select_n3A_231 = arith.select %eq3A_230, %broadcast_in_dim3A_16, %broadcast_in_dim3A_18 : vector<16xi1>, vector<16xf32>
      %swap3A_232 = arith.constant 18 : i32
      %swap3A_233 = arith.index_cast %swap3A_232 : i32 to index
      %swap3A_234 = arith.index_cast %mul3A_85 : i32 to index
      %swap3A_235 = tpu.vector_load %arg5[%swap3A_233, %swap3A_234] {strides = array<i32>} : memref<26x512xf32, #tpu.memory_space<vmem>>, vector<16xf32>,
      tpu.vector_store %arg5[%swap3A_233, %swap3A_234], %select_n3A_231 {strides = array<i32>} : memref<26x512xf32, #tpu.memory_space<vmem>>, vector<16xf32>,
      %eq3A_236 = arith.constant 19 : i32
      %eq3A_237 = vector.broadcast %eq3A_236 : i32 to vector<16xi32>
      %eq3A_238 = arith.cmpi eq, %get3A_86, %eq3A_237 : vector<16xi32>
      %select_n3A_239 = arith.select %eq3A_238, %broadcast_in_dim3A_16, %broadcast_in_dim3A_18 : vector<16xi1>, vector<16xf32>
      %swap3A_240 = arith.constant 19 : i32
      %swap3A_241 = arith.index_cast %swap3A_240 : i32 to index
      %swap3A_242 = arith.index_cast %mul3A_85 : i32 to index
      %swap3A_243 = tpu.vector_load %arg5[%swap3A_241, %swap3A_242] {strides = array<i32>} : memref<26x512xf32, #tpu.memory_space<vmem>>, vector<16xf32>,
      tpu.vector_store %arg5[%swap3A_241, %swap3A_242], %select_n3A_239 {strides = array<i32>} : memref<26x512xf32, #tpu.memory_space<vmem>>, vector<16xf32>,
      %eq3A_244 = arith.constant 20 : i32
      %eq3A_245 = vector.broadcast %eq3A_244 : i32 to vector<16xi32>
      %eq3A_246 = arith.cmpi eq, %get3A_86, %eq3A_245 : vector<16xi32>
      %select_n3A_247 = arith.select %eq3A_246, %broadcast_in_dim3A_16, %broadcast_in_dim3A_18 : vector<16xi1>, vector<16xf32>
      %swap3A_248 = arith.constant 20 : i32
      %swap3A_249 = arith.index_cast %swap3A_248 : i32 to index
      %swap3A_250 = arith.index_cast %mul3A_85 : i32 to index
      %swap3A_251 = tpu.vector_load %arg5[%swap3A_249, %swap3A_250] {strides = array<i32>} : memref<26x512xf32, #tpu.memory_space<vmem>>, vector<16xf32>,
      tpu.vector_store %arg5[%swap3A_249, %swap3A_250], %select_n3A_247 {strides = array<i32>} : memref<26x512xf32, #tpu.memory_space<vmem>>, vector<16xf32>,
      %eq3A_252 = arith.constant 21 : i32
      %eq3A_253 = vector.broadcast %eq3A_252 : i32 to vector<16xi32>
      %eq3A_254 = arith.cmpi eq, %get3A_86, %eq3A_253 : vector<16xi32>
      %select_n3A_255 = arith.select %eq3A_254, %broadcast_in_dim3A_16, %broadcast_in_dim3A_18 : vector<16xi1>, vector<16xf32>
      %swap3A_256 = arith.constant 21 : i32
      %swap3A_257 = arith.index_cast %swap3A_256 : i32 to index
      %swap3A_258 = arith.index_cast %mul3A_85 : i32 to index
      %swap3A_259 = tpu.vector_load %arg5[%swap3A_257, %swap3A_258] {strides = array<i32>} : memref<26x512xf32, #tpu.memory_space<vmem>>, vector<16xf32>,
      tpu.vector_store %arg5[%swap3A_257, %swap3A_258], %select_n3A_255 {strides = array<i32>} : memref<26x512xf32, #tpu.memory_space<vmem>>, vector<16xf32>,
      %eq3A_260 = arith.constant 22 : i32
      %eq3A_261 = vector.broadcast %eq3A_260 : i32 to vector<16xi32>
      %eq3A_262 = arith.cmpi eq, %get3A_86, %eq3A_261 : vector<16xi32>
      %select_n3A_263 = arith.select %eq3A_262, %broadcast_in_dim3A_16, %broadcast_in_dim3A_18 : vector<16xi1>, vector<16xf32>
      %swap3A_264 = arith.constant 22 : i32
      %swap3A_265 = arith.index_cast %swap3A_264 : i32 to index
      %swap3A_266 = arith.index_cast %mul3A_85 : i32 to index
      %swap3A_267 = tpu.vector_load %arg5[%swap3A_265, %swap3A_266] {strides = array<i32>} : memref<26x512xf32, #tpu.memory_space<vmem>>, vector<16xf32>,
      tpu.vector_store %arg5[%swap3A_265, %swap3A_266], %select_n3A_263 {strides = array<i32>} : memref<26x512xf32, #tpu.memory_space<vmem>>, vector<16xf32>,
      %eq3A_268 = arith.constant 23 : i32
      %eq3A_269 = vector.broadcast %eq3A_268 : i32 to vector<16xi32>
      %eq3A_270 = arith.cmpi eq, %get3A_86, %eq3A_269 : vector<16xi32>
      %select_n3A_271 = arith.select %eq3A_270, %broadcast_in_dim3A_16, %broadcast_in_dim3A_18 : vector<16xi1>, vector<16xf32>
      %swap3A_272 = arith.constant 23 : i32
      %swap3A_273 = arith.index_cast %swap3A_272 : i32 to index
      %swap3A_274 = arith.index_cast %mul3A_85 : i32 to index
      %swap3A_275 = tpu.vector_load %arg5[%swap3A_273, %swap3A_274] {strides = array<i32>} : memref<26x512xf32, #tpu.memory_space<vmem>>, vector<16xf32>,
      tpu.vector_store %arg5[%swap3A_273, %swap3A_274], %select_n3A_271 {strides = array<i32>} : memref<26x512xf32, #tpu.memory_space<vmem>>, vector<16xf32>,
      %eq3A_276 = arith.constant 24 : i32
      %eq3A_277 = vector.broadcast %eq3A_276 : i32 to vector<16xi32>
      %eq3A_278 = arith.cmpi eq, %get3A_86, %eq3A_277 : vector<16xi32>
      %select_n3A_279 = arith.select %eq3A_278, %broadcast_in_dim3A_16, %broadcast_in_dim3A_18 : vector<16xi1>, vector<16xf32>
      %swap3A_280 = arith.constant 24 : i32
      %swap3A_281 = arith.index_cast %swap3A_280 : i32 to index
      %swap3A_282 = arith.index_cast %mul3A_85 : i32 to index
      %swap3A_283 = tpu.vector_load %arg5[%swap3A_281, %swap3A_282] {strides = array<i32>} : memref<26x512xf32, #tpu.memory_space<vmem>>, vector<16xf32>,
      tpu.vector_store %arg5[%swap3A_281, %swap3A_282], %select_n3A_279 {strides = array<i32>} : memref<26x512xf32, #tpu.memory_space<vmem>>, vector<16xf32>,
      %eq3A_284 = arith.constant 25 : i32
      %eq3A_285 = vector.broadcast %eq3A_284 : i32 to vector<16xi32>
      %eq3A_286 = arith.cmpi eq, %get3A_86, %eq3A_285 : vector<16xi32>
      %select_n3A_287 = arith.select %eq3A_286, %broadcast_in_dim3A_16, %broadcast_in_dim3A_18 : vector<16xi1>, vector<16xf32>
      %swap3A_288 = arith.constant 25 : i32
      %swap3A_289 = arith.index_cast %swap3A_288 : i32 to index
      %swap3A_290 = arith.index_cast %mul3A_85 : i32 to index
      %swap3A_291 = tpu.vector_load %arg5[%swap3A_289, %swap3A_290] {strides = array<i32>} : memref<26x512xf32, #tpu.memory_space<vmem>>, vector<16xf32>,
      tpu.vector_store %arg5[%swap3A_289, %swap3A_290], %select_n3A_287 {strides = array<i32>} : memref<26x512xf32, #tpu.memory_space<vmem>>, vector<16xf32>,
    }
    %scan3A_28 = arith.constant 16 : i32
    %dma_start3A_29 = arith.constant 0 : i32
    %dma_start3A_30 = arith.constant 0 : i32
    %dma_start3A_31 = tpu.memref_slice %arg5[%dma_start3A_29, %dma_start3A_30] : memref<26x512xf32, #tpu.memory_space<vmem>> -> memref<26x256xf32, #tpu.memory_space<vmem>>
    %dma_start3A_32 = arith.constant 0 : i32
    %dma_start3A_33 = tpu.memref_slice %arg3[%dma_start3A_32, %mul3A_2] : memref<26x16384xf32, #tpu.memory_space<hbm>> -> memref<26x256xf32, #tpu.memory_space<hbm>>
    %dma_start3A_34 = arith.constant 0 : i32
    %dma_start3A_35 = tpu.memref_slice %arg3[%dma_start3A_34, %mul3A_2] : memref<26x16384xf32, #tpu.memory_space<hbm>> -> memref<26x256xf32, #tpu.memory_space<hbm>>
    %dma_start3A_36 = arith.constant 0 : i32
    %dma_start3A_37 = arith.constant 0 : i32
    %dma_start3A_38 = tpu.memref_slice %arg5[%dma_start3A_36, %dma_start3A_37] : memref<26x512xf32, #tpu.memory_space<vmem>> -> memref<26x256xf32, #tpu.memory_space<vmem>>
    tpu.enqueue_dma source(%dma_start3A_38 : memref<26x256xf32, #tpu.memory_space<vmem>>) target(%dma_start3A_35 : memref<26x256xf32, #tpu.memory_space<hbm>>) target_semaphore(%arg6 : memref<!tpu.dma_semaphore, #tpu.memory_space<semaphore_mem>>)
    %dma_wait3A_39 = arith.constant 256 : i32
    %dma_wait3A_40 = tpu.memref_slice %arg4[%dma_wait3A_39] : memref<512xi32, #tpu.memory_space<vmem>> -> memref<256xi32, #tpu.memory_space<vmem>>
    %dma_wait3A_41 = tpu.memref_slice %arg2[%add3A_9] : memref<16384xi32, #tpu.memory_space<hbm>> -> memref<256xi32, #tpu.memory_space<hbm>>
    %dma_wait3A_42 = arith.constant 256 : i32
    %dma_wait3A_43 = tpu.memref_slice %arg4[%dma_wait3A_42] : memref<512xi32, #tpu.memory_space<vmem>> -> memref<256xi32, #tpu.memory_space<vmem>>
    %dma_wait3A_44 = tpu.memref_slice %arg2[%add3A_9] : memref<16384xi32, #tpu.memory_space<hbm>> -> memref<256xi32, #tpu.memory_space<hbm>>
    tpu.wait_dma2 semaphore(%arg8 : memref<!tpu.dma_semaphore, #tpu.memory_space<semaphore_mem>>) src(%dma_wait3A_44 : memref<256xi32, #tpu.memory_space<hbm>>) dst(%dma_wait3A_43 : memref<256xi32, #tpu.memory_space<vmem>>)
    %scan3A_45 = arith.constant 0 : i32
    %scan3A_46 = arith.constant 16 : i32
    %scan3A_47 = arith.constant 16 : i32
    %scan3A_48 = arith.addi %scan3A_46, %scan3A_47 : i32
    %scan3A_49 = arith.constant 1 : i32
    scf.for %scan3A_83 = %scan3A_46 to %scan3A_48 step %scan3A_49  : i32 {
      %mul3A_84 = arith.constant 16 : i32
      %mul3A_85 = arith.muli %scan3A_83, %mul3A_84 : i32
      %get3A = arith.index_cast %mul3A_85 : i32 to index
      %get3A_86 = tpu.vector_load %arg4[%get3A] {strides = array<i32>} : memref<512xi32, #tpu.memory_space<vmem>>, vector<16xi32>,
      %eq3A = arith.constant 0 : i32
      %eq3A_87 = vector.broadcast %eq3A : i32 to vector<16xi32>
      %eq3A_88 = arith.cmpi eq, %get3A_86, %eq3A_87 : vector<16xi32>
      %select_n3A = arith.select %eq3A_88, %broadcast_in_dim3A_16, %broadcast_in_dim3A_18 : vector<16xi1>, vector<16xf32>
      %swap3A = arith.constant 0 : i32
      %swap3A_89 = arith.index_cast %swap3A : i32 to index
      %swap3A_90 = arith.index_cast %mul3A_85 : i32 to index
      %swap3A_91 = tpu.vector_load %arg5[%swap3A_89, %swap3A_90] {strides = array<i32>} : memref<26x512xf32, #tpu.memory_space<vmem>>, vector<16xf32>,
      tpu.vector_store %arg5[%swap3A_89, %swap3A_90], %select_n3A {strides = array<i32>} : memref<26x512xf32, #tpu.memory_space<vmem>>, vector<16xf32>,
      %eq3A_92 = arith.constant 1 : i32
      %eq3A_93 = vector.broadcast %eq3A_92 : i32 to vector<16xi32>
      %eq3A_94 = arith.cmpi eq, %get3A_86, %eq3A_93 : vector<16xi32>
      %select_n3A_95 = arith.select %eq3A_94, %broadcast_in_dim3A_16, %broadcast_in_dim3A_18 : vector<16xi1>, vector<16xf32>
      %swap3A_96 = arith.constant 1 : i32
      %swap3A_97 = arith.index_cast %swap3A_96 : i32 to index
      %swap3A_98 = arith.index_cast %mul3A_85 : i32 to index
      %swap3A_99 = tpu.vector_load %arg5[%swap3A_97, %swap3A_98] {strides = array<i32>} : memref<26x512xf32, #tpu.memory_space<vmem>>, vector<16xf32>,
      tpu.vector_store %arg5[%swap3A_97, %swap3A_98], %select_n3A_95 {strides = array<i32>} : memref<26x512xf32, #tpu.memory_space<vmem>>, vector<16xf32>,
      %eq3A_100 = arith.constant 2 : i32
      %eq3A_101 = vector.broadcast %eq3A_100 : i32 to vector<16xi32>
      %eq3A_102 = arith.cmpi eq, %get3A_86, %eq3A_101 : vector<16xi32>
      %select_n3A_103 = arith.select %eq3A_102, %broadcast_in_dim3A_16, %broadcast_in_dim3A_18 : vector<16xi1>, vector<16xf32>
      %swap3A_104 = arith.constant 2 : i32
      %swap3A_105 = arith.index_cast %swap3A_104 : i32 to index
      %swap3A_106 = arith.index_cast %mul3A_85 : i32 to index
      %swap3A_107 = tpu.vector_load %arg5[%swap3A_105, %swap3A_106] {strides = array<i32>} : memref<26x512xf32, #tpu.memory_space<vmem>>, vector<16xf32>,
      tpu.vector_store %arg5[%swap3A_105, %swap3A_106], %select_n3A_103 {strides = array<i32>} : memref<26x512xf32, #tpu.memory_space<vmem>>, vector<16xf32>,
      %eq3A_108 = arith.constant 3 : i32
      %eq3A_109 = vector.broadcast %eq3A_108 : i32 to vector<16xi32>
      %eq3A_110 = arith.cmpi eq, %get3A_86, %eq3A_109 : vector<16xi32>
      %select_n3A_111 = arith.select %eq3A_110, %broadcast_in_dim3A_16, %broadcast_in_dim3A_18 : vector<16xi1>, vector<16xf32>
      %swap3A_112 = arith.constant 3 : i32
      %swap3A_113 = arith.index_cast %swap3A_112 : i32 to index
      %swap3A_114 = arith.index_cast %mul3A_85 : i32 to index
      %swap3A_115 = tpu.vector_load %arg5[%swap3A_113, %swap3A_114] {strides = array<i32>} : memref<26x512xf32, #tpu.memory_space<vmem>>, vector<16xf32>,
      tpu.vector_store %arg5[%swap3A_113, %swap3A_114], %select_n3A_111 {strides = array<i32>} : memref<26x512xf32, #tpu.memory_space<vmem>>, vector<16xf32>,
      %eq3A_116 = arith.constant 4 : i32
      %eq3A_117 = vector.broadcast %eq3A_116 : i32 to vector<16xi32>
      %eq3A_118 = arith.cmpi eq, %get3A_86, %eq3A_117 : vector<16xi32>
      %select_n3A_119 = arith.select %eq3A_118, %broadcast_in_dim3A_16, %broadcast_in_dim3A_18 : vector<16xi1>, vector<16xf32>
      %swap3A_120 = arith.constant 4 : i32
      %swap3A_121 = arith.index_cast %swap3A_120 : i32 to index
      %swap3A_122 = arith.index_cast %mul3A_85 : i32 to index
      %swap3A_123 = tpu.vector_load %arg5[%swap3A_121, %swap3A_122] {strides = array<i32>} : memref<26x512xf32, #tpu.memory_space<vmem>>, vector<16xf32>,
      tpu.vector_store %arg5[%swap3A_121, %swap3A_122], %select_n3A_119 {strides = array<i32>} : memref<26x512xf32, #tpu.memory_space<vmem>>, vector<16xf32>,
      %eq3A_124 = arith.constant 5 : i32
      %eq3A_125 = vector.broadcast %eq3A_124 : i32 to vector<16xi32>
      %eq3A_126 = arith.cmpi eq, %get3A_86, %eq3A_125 : vector<16xi32>
      %select_n3A_127 = arith.select %eq3A_126, %broadcast_in_dim3A_16, %broadcast_in_dim3A_18 : vector<16xi1>, vector<16xf32>
      %swap3A_128 = arith.constant 5 : i32
      %swap3A_129 = arith.index_cast %swap3A_128 : i32 to index
      %swap3A_130 = arith.index_cast %mul3A_85 : i32 to index
      %swap3A_131 = tpu.vector_load %arg5[%swap3A_129, %swap3A_130] {strides = array<i32>} : memref<26x512xf32, #tpu.memory_space<vmem>>, vector<16xf32>,
      tpu.vector_store %arg5[%swap3A_129, %swap3A_130], %select_n3A_127 {strides = array<i32>} : memref<26x512xf32, #tpu.memory_space<vmem>>, vector<16xf32>,
      %eq3A_132 = arith.constant 6 : i32
      %eq3A_133 = vector.broadcast %eq3A_132 : i32 to vector<16xi32>
      %eq3A_134 = arith.cmpi eq, %get3A_86, %eq3A_133 : vector<16xi32>
      %select_n3A_135 = arith.select %eq3A_134, %broadcast_in_dim3A_16, %broadcast_in_dim3A_18 : vector<16xi1>, vector<16xf32>
      %swap3A_136 = arith.constant 6 : i32
      %swap3A_137 = arith.index_cast %swap3A_136 : i32 to index
      %swap3A_138 = arith.index_cast %mul3A_85 : i32 to index
      %swap3A_139 = tpu.vector_load %arg5[%swap3A_137, %swap3A_138] {strides = array<i32>} : memref<26x512xf32, #tpu.memory_space<vmem>>, vector<16xf32>,
      tpu.vector_store %arg5[%swap3A_137, %swap3A_138], %select_n3A_135 {strides = array<i32>} : memref<26x512xf32, #tpu.memory_space<vmem>>, vector<16xf32>,
      %eq3A_140 = arith.constant 7 : i32
      %eq3A_141 = vector.broadcast %eq3A_140 : i32 to vector<16xi32>
      %eq3A_142 = arith.cmpi eq, %get3A_86, %eq3A_141 : vector<16xi32>
      %select_n3A_143 = arith.select %eq3A_142, %broadcast_in_dim3A_16, %broadcast_in_dim3A_18 : vector<16xi1>, vector<16xf32>
      %swap3A_144 = arith.constant 7 : i32
      %swap3A_145 = arith.index_cast %swap3A_144 : i32 to index
      %swap3A_146 = arith.index_cast %mul3A_85 : i32 to index
      %swap3A_147 = tpu.vector_load %arg5[%swap3A_145, %swap3A_146] {strides = array<i32>} : memref<26x512xf32, #tpu.memory_space<vmem>>, vector<16xf32>,
      tpu.vector_store %arg5[%swap3A_145, %swap3A_146], %select_n3A_143 {strides = array<i32>} : memref<26x512xf32, #tpu.memory_space<vmem>>, vector<16xf32>,
      %eq3A_148 = arith.constant 8 : i32
      %eq3A_149 = vector.broadcast %eq3A_148 : i32 to vector<16xi32>
      %eq3A_150 = arith.cmpi eq, %get3A_86, %eq3A_149 : vector<16xi32>
      %select_n3A_151 = arith.select %eq3A_150, %broadcast_in_dim3A_16, %broadcast_in_dim3A_18 : vector<16xi1>, vector<16xf32>
      %swap3A_152 = arith.constant 8 : i32
      %swap3A_153 = arith.index_cast %swap3A_152 : i32 to index
      %swap3A_154 = arith.index_cast %mul3A_85 : i32 to index
      %swap3A_155 = tpu.vector_load %arg5[%swap3A_153, %swap3A_154] {strides = array<i32>} : memref<26x512xf32, #tpu.memory_space<vmem>>, vector<16xf32>,
      tpu.vector_store %arg5[%swap3A_153, %swap3A_154], %select_n3A_151 {strides = array<i32>} : memref<26x512xf32, #tpu.memory_space<vmem>>, vector<16xf32>,
      %eq3A_156 = arith.constant 9 : i32
      %eq3A_157 = vector.broadcast %eq3A_156 : i32 to vector<16xi32>
      %eq3A_158 = arith.cmpi eq, %get3A_86, %eq3A_157 : vector<16xi32>
      %select_n3A_159 = arith.select %eq3A_158, %broadcast_in_dim3A_16, %broadcast_in_dim3A_18 : vector<16xi1>, vector<16xf32>
      %swap3A_160 = arith.constant 9 : i32
      %swap3A_161 = arith.index_cast %swap3A_160 : i32 to index
      %swap3A_162 = arith.index_cast %mul3A_85 : i32 to index
      %swap3A_163 = tpu.vector_load %arg5[%swap3A_161, %swap3A_162] {strides = array<i32>} : memref<26x512xf32, #tpu.memory_space<vmem>>, vector<16xf32>,
      tpu.vector_store %arg5[%swap3A_161, %swap3A_162], %select_n3A_159 {strides = array<i32>} : memref<26x512xf32, #tpu.memory_space<vmem>>, vector<16xf32>,
      %eq3A_164 = arith.constant 10 : i32
      %eq3A_165 = vector.broadcast %eq3A_164 : i32 to vector<16xi32>
      %eq3A_166 = arith.cmpi eq, %get3A_86, %eq3A_165 : vector<16xi32>
      %select_n3A_167 = arith.select %eq3A_166, %broadcast_in_dim3A_16, %broadcast_in_dim3A_18 : vector<16xi1>, vector<16xf32>
      %swap3A_168 = arith.constant 10 : i32
      %swap3A_169 = arith.index_cast %swap3A_168 : i32 to index
      %swap3A_170 = arith.index_cast %mul3A_85 : i32 to index
      %swap3A_171 = tpu.vector_load %arg5[%swap3A_169, %swap3A_170] {strides = array<i32>} : memref<26x512xf32, #tpu.memory_space<vmem>>, vector<16xf32>,
      tpu.vector_store %arg5[%swap3A_169, %swap3A_170], %select_n3A_167 {strides = array<i32>} : memref<26x512xf32, #tpu.memory_space<vmem>>, vector<16xf32>,
      %eq3A_172 = arith.constant 11 : i32
      %eq3A_173 = vector.broadcast %eq3A_172 : i32 to vector<16xi32>
      %eq3A_174 = arith.cmpi eq, %get3A_86, %eq3A_173 : vector<16xi32>
      %select_n3A_175 = arith.select %eq3A_174, %broadcast_in_dim3A_16, %broadcast_in_dim3A_18 : vector<16xi1>, vector<16xf32>
      %swap3A_176 = arith.constant 11 : i32
      %swap3A_177 = arith.index_cast %swap3A_176 : i32 to index
      %swap3A_178 = arith.index_cast %mul3A_85 : i32 to index
      %swap3A_179 = tpu.vector_load %arg5[%swap3A_177, %swap3A_178] {strides = array<i32>} : memref<26x512xf32, #tpu.memory_space<vmem>>, vector<16xf32>,
      tpu.vector_store %arg5[%swap3A_177, %swap3A_178], %select_n3A_175 {strides = array<i32>} : memref<26x512xf32, #tpu.memory_space<vmem>>, vector<16xf32>,
      %eq3A_180 = arith.constant 12 : i32
      %eq3A_181 = vector.broadcast %eq3A_180 : i32 to vector<16xi32>
      %eq3A_182 = arith.cmpi eq, %get3A_86, %eq3A_181 : vector<16xi32>
      %select_n3A_183 = arith.select %eq3A_182, %broadcast_in_dim3A_16, %broadcast_in_dim3A_18 : vector<16xi1>, vector<16xf32>
      %swap3A_184 = arith.constant 12 : i32
      %swap3A_185 = arith.index_cast %swap3A_184 : i32 to index
      %swap3A_186 = arith.index_cast %mul3A_85 : i32 to index
      %swap3A_187 = tpu.vector_load %arg5[%swap3A_185, %swap3A_186] {strides = array<i32>} : memref<26x512xf32, #tpu.memory_space<vmem>>, vector<16xf32>,
      tpu.vector_store %arg5[%swap3A_185, %swap3A_186], %select_n3A_183 {strides = array<i32>} : memref<26x512xf32, #tpu.memory_space<vmem>>, vector<16xf32>,
      %eq3A_188 = arith.constant 13 : i32
      %eq3A_189 = vector.broadcast %eq3A_188 : i32 to vector<16xi32>
      %eq3A_190 = arith.cmpi eq, %get3A_86, %eq3A_189 : vector<16xi32>
      %select_n3A_191 = arith.select %eq3A_190, %broadcast_in_dim3A_16, %broadcast_in_dim3A_18 : vector<16xi1>, vector<16xf32>
      %swap3A_192 = arith.constant 13 : i32
      %swap3A_193 = arith.index_cast %swap3A_192 : i32 to index
      %swap3A_194 = arith.index_cast %mul3A_85 : i32 to index
      %swap3A_195 = tpu.vector_load %arg5[%swap3A_193, %swap3A_194] {strides = array<i32>} : memref<26x512xf32, #tpu.memory_space<vmem>>, vector<16xf32>,
      tpu.vector_store %arg5[%swap3A_193, %swap3A_194], %select_n3A_191 {strides = array<i32>} : memref<26x512xf32, #tpu.memory_space<vmem>>, vector<16xf32>,
      %eq3A_196 = arith.constant 14 : i32
      %eq3A_197 = vector.broadcast %eq3A_196 : i32 to vector<16xi32>
      %eq3A_198 = arith.cmpi eq, %get3A_86, %eq3A_197 : vector<16xi32>
      %select_n3A_199 = arith.select %eq3A_198, %broadcast_in_dim3A_16, %broadcast_in_dim3A_18 : vector<16xi1>, vector<16xf32>
      %swap3A_200 = arith.constant 14 : i32
      %swap3A_201 = arith.index_cast %swap3A_200 : i32 to index
      %swap3A_202 = arith.index_cast %mul3A_85 : i32 to index
      %swap3A_203 = tpu.vector_load %arg5[%swap3A_201, %swap3A_202] {strides = array<i32>} : memref<26x512xf32, #tpu.memory_space<vmem>>, vector<16xf32>,
      tpu.vector_store %arg5[%swap3A_201, %swap3A_202], %select_n3A_199 {strides = array<i32>} : memref<26x512xf32, #tpu.memory_space<vmem>>, vector<16xf32>,
      %eq3A_204 = arith.constant 15 : i32
      %eq3A_205 = vector.broadcast %eq3A_204 : i32 to vector<16xi32>
      %eq3A_206 = arith.cmpi eq, %get3A_86, %eq3A_205 : vector<16xi32>
      %select_n3A_207 = arith.select %eq3A_206, %broadcast_in_dim3A_16, %broadcast_in_dim3A_18 : vector<16xi1>, vector<16xf32>
      %swap3A_208 = arith.constant 15 : i32
      %swap3A_209 = arith.index_cast %swap3A_208 : i32 to index
      %swap3A_210 = arith.index_cast %mul3A_85 : i32 to index
      %swap3A_211 = tpu.vector_load %arg5[%swap3A_209, %swap3A_210] {strides = array<i32>} : memref<26x512xf32, #tpu.memory_space<vmem>>, vector<16xf32>,
      tpu.vector_store %arg5[%swap3A_209, %swap3A_210], %select_n3A_207 {strides = array<i32>} : memref<26x512xf32, #tpu.memory_space<vmem>>, vector<16xf32>,
      %eq3A_212 = arith.constant 16 : i32
      %eq3A_213 = vector.broadcast %eq3A_212 : i32 to vector<16xi32>
      %eq3A_214 = arith.cmpi eq, %get3A_86, %eq3A_213 : vector<16xi32>
      %select_n3A_215 = arith.select %eq3A_214, %broadcast_in_dim3A_16, %broadcast_in_dim3A_18 : vector<16xi1>, vector<16xf32>
      %swap3A_216 = arith.constant 16 : i32
      %swap3A_217 = arith.index_cast %swap3A_216 : i32 to index
      %swap3A_218 = arith.index_cast %mul3A_85 : i32 to index
      %swap3A_219 = tpu.vector_load %arg5[%swap3A_217, %swap3A_218] {strides = array<i32>} : memref<26x512xf32, #tpu.memory_space<vmem>>, vector<16xf32>,
      tpu.vector_store %arg5[%swap3A_217, %swap3A_218], %select_n3A_215 {strides = array<i32>} : memref<26x512xf32, #tpu.memory_space<vmem>>, vector<16xf32>,
      %eq3A_220 = arith.constant 17 : i32
      %eq3A_221 = vector.broadcast %eq3A_220 : i32 to vector<16xi32>
      %eq3A_222 = arith.cmpi eq, %get3A_86, %eq3A_221 : vector<16xi32>
      %select_n3A_223 = arith.select %eq3A_222, %broadcast_in_dim3A_16, %broadcast_in_dim3A_18 : vector<16xi1>, vector<16xf32>
      %swap3A_224 = arith.constant 17 : i32
      %swap3A_225 = arith.index_cast %swap3A_224 : i32 to index
      %swap3A_226 = arith.index_cast %mul3A_85 : i32 to index
      %swap3A_227 = tpu.vector_load %arg5[%swap3A_225, %swap3A_226] {strides = array<i32>} : memref<26x512xf32, #tpu.memory_space<vmem>>, vector<16xf32>,
      tpu.vector_store %arg5[%swap3A_225, %swap3A_226], %select_n3A_223 {strides = array<i32>} : memref<26x512xf32, #tpu.memory_space<vmem>>, vector<16xf32>,
      %eq3A_228 = arith.constant 18 : i32
      %eq3A_229 = vector.broadcast %eq3A_228 : i32 to vector<16xi32>
      %eq3A_230 = arith.cmpi eq, %get3A_86, %eq3A_229 : vector<16xi32>
      %select_n3A_231 = arith.select %eq3A_230, %broadcast_in_dim3A_16, %broadcast_in_dim3A_18 : vector<16xi1>, vector<16xf32>
      %swap3A_232 = arith.constant 18 : i32
      %swap3A_233 = arith.index_cast %swap3A_232 : i32 to index
      %swap3A_234 = arith.index_cast %mul3A_85 : i32 to index
      %swap3A_235 = tpu.vector_load %arg5[%swap3A_233, %swap3A_234] {strides = array<i32>} : memref<26x512xf32, #tpu.memory_space<vmem>>, vector<16xf32>,
      tpu.vector_store %arg5[%swap3A_233, %swap3A_234], %select_n3A_231 {strides = array<i32>} : memref<26x512xf32, #tpu.memory_space<vmem>>, vector<16xf32>,
      %eq3A_236 = arith.constant 19 : i32
      %eq3A_237 = vector.broadcast %eq3A_236 : i32 to vector<16xi32>
      %eq3A_238 = arith.cmpi eq, %get3A_86, %eq3A_237 : vector<16xi32>
      %select_n3A_239 = arith.select %eq3A_238, %broadcast_in_dim3A_16, %broadcast_in_dim3A_18 : vector<16xi1>, vector<16xf32>
      %swap3A_240 = arith.constant 19 : i32
      %swap3A_241 = arith.index_cast %swap3A_240 : i32 to index
      %swap3A_242 = arith.index_cast %mul3A_85 : i32 to index
      %swap3A_243 = tpu.vector_load %arg5[%swap3A_241, %swap3A_242] {strides = array<i32>} : memref<26x512xf32, #tpu.memory_space<vmem>>, vector<16xf32>,
      tpu.vector_store %arg5[%swap3A_241, %swap3A_242], %select_n3A_239 {strides = array<i32>} : memref<26x512xf32, #tpu.memory_space<vmem>>, vector<16xf32>,
      %eq3A_244 = arith.constant 20 : i32
      %eq3A_245 = vector.broadcast %eq3A_244 : i32 to vector<16xi32>
      %eq3A_246 = arith.cmpi eq, %get3A_86, %eq3A_245 : vector<16xi32>
      %select_n3A_247 = arith.select %eq3A_246, %broadcast_in_dim3A_16, %broadcast_in_dim3A_18 : vector<16xi1>, vector<16xf32>
      %swap3A_248 = arith.constant 20 : i32
      %swap3A_249 = arith.index_cast %swap3A_248 : i32 to index
      %swap3A_250 = arith.index_cast %mul3A_85 : i32 to index
      %swap3A_251 = tpu.vector_load %arg5[%swap3A_249, %swap3A_250] {strides = array<i32>} : memref<26x512xf32, #tpu.memory_space<vmem>>, vector<16xf32>,
      tpu.vector_store %arg5[%swap3A_249, %swap3A_250], %select_n3A_247 {strides = array<i32>} : memref<26x512xf32, #tpu.memory_space<vmem>>, vector<16xf32>,
      %eq3A_252 = arith.constant 21 : i32
      %eq3A_253 = vector.broadcast %eq3A_252 : i32 to vector<16xi32>
      %eq3A_254 = arith.cmpi eq, %get3A_86, %eq3A_253 : vector<16xi32>
      %select_n3A_255 = arith.select %eq3A_254, %broadcast_in_dim3A_16, %broadcast_in_dim3A_18 : vector<16xi1>, vector<16xf32>
      %swap3A_256 = arith.constant 21 : i32
      %swap3A_257 = arith.index_cast %swap3A_256 : i32 to index
      %swap3A_258 = arith.index_cast %mul3A_85 : i32 to index
      %swap3A_259 = tpu.vector_load %arg5[%swap3A_257, %swap3A_258] {strides = array<i32>} : memref<26x512xf32, #tpu.memory_space<vmem>>, vector<16xf32>,
      tpu.vector_store %arg5[%swap3A_257, %swap3A_258], %select_n3A_255 {strides = array<i32>} : memref<26x512xf32, #tpu.memory_space<vmem>>, vector<16xf32>,
      %eq3A_260 = arith.constant 22 : i32
      %eq3A_261 = vector.broadcast %eq3A_260 : i32 to vector<16xi32>
      %eq3A_262 = arith.cmpi eq, %get3A_86, %eq3A_261 : vector<16xi32>
      %select_n3A_263 = arith.select %eq3A_262, %broadcast_in_dim3A_16, %broadcast_in_dim3A_18 : vector<16xi1>, vector<16xf32>
      %swap3A_264 = arith.constant 22 : i32
      %swap3A_265 = arith.index_cast %swap3A_264 : i32 to index
      %swap3A_266 = arith.index_cast %mul3A_85 : i32 to index
      %swap3A_267 = tpu.vector_load %arg5[%swap3A_265, %swap3A_266] {strides = array<i32>} : memref<26x512xf32, #tpu.memory_space<vmem>>, vector<16xf32>,
      tpu.vector_store %arg5[%swap3A_265, %swap3A_266], %select_n3A_263 {strides = array<i32>} : memref<26x512xf32, #tpu.memory_space<vmem>>, vector<16xf32>,
      %eq3A_268 = arith.constant 23 : i32
      %eq3A_269 = vector.broadcast %eq3A_268 : i32 to vector<16xi32>
      %eq3A_270 = arith.cmpi eq, %get3A_86, %eq3A_269 : vector<16xi32>
      %select_n3A_271 = arith.select %eq3A_270, %broadcast_in_dim3A_16, %broadcast_in_dim3A_18 : vector<16xi1>, vector<16xf32>
      %swap3A_272 = arith.constant 23 : i32
      %swap3A_273 = arith.index_cast %swap3A_272 : i32 to index
      %swap3A_274 = arith.index_cast %mul3A_85 : i32 to index
      %swap3A_275 = tpu.vector_load %arg5[%swap3A_273, %swap3A_274] {strides = array<i32>} : memref<26x512xf32, #tpu.memory_space<vmem>>, vector<16xf32>,
      tpu.vector_store %arg5[%swap3A_273, %swap3A_274], %select_n3A_271 {strides = array<i32>} : memref<26x512xf32, #tpu.memory_space<vmem>>, vector<16xf32>,
      %eq3A_276 = arith.constant 24 : i32
      %eq3A_277 = vector.broadcast %eq3A_276 : i32 to vector<16xi32>
      %eq3A_278 = arith.cmpi eq, %get3A_86, %eq3A_277 : vector<16xi32>
      %select_n3A_279 = arith.select %eq3A_278, %broadcast_in_dim3A_16, %broadcast_in_dim3A_18 : vector<16xi1>, vector<16xf32>
      %swap3A_280 = arith.constant 24 : i32
      %swap3A_281 = arith.index_cast %swap3A_280 : i32 to index
      %swap3A_282 = arith.index_cast %mul3A_85 : i32 to index
      %swap3A_283 = tpu.vector_load %arg5[%swap3A_281, %swap3A_282] {strides = array<i32>} : memref<26x512xf32, #tpu.memory_space<vmem>>, vector<16xf32>,
      tpu.vector_store %arg5[%swap3A_281, %swap3A_282], %select_n3A_279 {strides = array<i32>} : memref<26x512xf32, #tpu.memory_space<vmem>>, vector<16xf32>,
      %eq3A_284 = arith.constant 25 : i32
      %eq3A_285 = vector.broadcast %eq3A_284 : i32 to vector<16xi32>
      %eq3A_286 = arith.cmpi eq, %get3A_86, %eq3A_285 : vector<16xi32>
      %select_n3A_287 = arith.select %eq3A_286, %broadcast_in_dim3A_16, %broadcast_in_dim3A_18 : vector<16xi1>, vector<16xf32>
      %swap3A_288 = arith.constant 25 : i32
      %swap3A_289 = arith.index_cast %swap3A_288 : i32 to index
      %swap3A_290 = arith.index_cast %mul3A_85 : i32 to index
      %swap3A_291 = tpu.vector_load %arg5[%swap3A_289, %swap3A_290] {strides = array<i32>} : memref<26x512xf32, #tpu.memory_space<vmem>>, vector<16xf32>,
      tpu.vector_store %arg5[%swap3A_289, %swap3A_290], %select_n3A_287 {strides = array<i32>} : memref<26x512xf32, #tpu.memory_space<vmem>>, vector<16xf32>,
    }
    %scan3A_50 = arith.constant 16 : i32
    %add3A_51 = arith.constant 256 : i32
    %add3A_52 = arith.addi %mul3A_2, %add3A_51 : i32
    %dma_start3A_53 = arith.constant 0 : i32
    %dma_start3A_54 = arith.constant 256 : i32
    %dma_start3A_55 = tpu.memref_slice %arg5[%dma_start3A_53, %dma_start3A_54] : memref<26x512xf32, #tpu.memory_space<vmem>> -> memref<26x256xf32, #tpu.memory_space<vmem>>
    %dma_start3A_56 = arith.constant 0 : i32
    %dma_start3A_57 = tpu.memref_slice %arg3[%dma_start3A_56, %add3A_52] : memref<26x16384xf32, #tpu.memory_space<hbm>> -> memref<26x256xf32, #tpu.memory_space<hbm>>
    %dma_start3A_58 = arith.constant 0 : i32
    %dma_start3A_59 = tpu.memref_slice %arg3[%dma_start3A_58, %add3A_52] : memref<26x16384xf32, #tpu.memory_space<hbm>> -> memref<26x256xf32, #tpu.memory_space<hbm>>
    %dma_start3A_60 = arith.constant 0 : i32
    %dma_start3A_61 = arith.constant 256 : i32
    %dma_start3A_62 = tpu.memref_slice %arg5[%dma_start3A_60, %dma_start3A_61] : memref<26x512xf32, #tpu.memory_space<vmem>> -> memref<26x256xf32, #tpu.memory_space<vmem>>
    tpu.enqueue_dma source(%dma_start3A_62 : memref<26x256xf32, #tpu.memory_space<vmem>>) target(%dma_start3A_59 : memref<26x256xf32, #tpu.memory_space<hbm>>) target_semaphore(%arg6 : memref<!tpu.dma_semaphore, #tpu.memory_space<semaphore_mem>>)
    %dma_wait3A_63 = arith.constant 0 : i32
    %dma_wait3A_64 = arith.constant 0 : i32
    %dma_wait3A_65 = tpu.memref_slice %arg5[%dma_wait3A_63, %dma_wait3A_64] : memref<26x512xf32, #tpu.memory_space<vmem>> -> memref<26x256xf32, #tpu.memory_space<vmem>>
    %dma_wait3A_66 = arith.constant 0 : i32
    %dma_wait3A_67 = tpu.memref_slice %arg3[%dma_wait3A_66, %mul3A_2] : memref<26x16384xf32, #tpu.memory_space<hbm>> -> memref<26x256xf32, #tpu.memory_space<hbm>>
    %dma_wait3A_68 = arith.constant 0 : i32
    %dma_wait3A_69 = tpu.memref_slice %arg3[%dma_wait3A_68, %mul3A_2] : memref<26x16384xf32, #tpu.memory_space<hbm>> -> memref<26x256xf32, #tpu.memory_space<hbm>>
    %dma_wait3A_70 = arith.constant 0 : i32
    %dma_wait3A_71 = arith.constant 0 : i32
    %dma_wait3A_72 = tpu.memref_slice %arg5[%dma_wait3A_70, %dma_wait3A_71] : memref<26x512xf32, #tpu.memory_space<vmem>> -> memref<26x256xf32, #tpu.memory_space<vmem>>
    tpu.wait_dma2 semaphore(%arg6 : memref<!tpu.dma_semaphore, #tpu.memory_space<semaphore_mem>>) src(%dma_wait3A_72 : memref<26x256xf32, #tpu.memory_space<vmem>>) dst(%dma_wait3A_69 : memref<26x256xf32, #tpu.memory_space<hbm>>)
    %dma_wait3A_73 = arith.constant 0 : i32
    %dma_wait3A_74 = arith.constant 256 : i32
    %dma_wait3A_75 = tpu.memref_slice %arg5[%dma_wait3A_73, %dma_wait3A_74] : memref<26x512xf32, #tpu.memory_space<vmem>> -> memref<26x256xf32, #tpu.memory_space<vmem>>
    %dma_wait3A_76 = arith.constant 0 : i32
    %dma_wait3A_77 = tpu.memref_slice %arg3[%dma_wait3A_76, %add3A_52] : memref<26x16384xf32, #tpu.memory_space<hbm>> -> memref<26x256xf32, #tpu.memory_space<hbm>>
    %dma_wait3A_78 = arith.constant 0 : i32
    %dma_wait3A_79 = tpu.memref_slice %arg3[%dma_wait3A_78, %add3A_52] : memref<26x16384xf32, #tpu.memory_space<hbm>> -> memref<26x256xf32, #tpu.memory_space<hbm>>
    %dma_wait3A_80 = arith.constant 0 : i32
    %dma_wait3A_81 = arith.constant 256 : i32
    %dma_wait3A_82 = tpu.memref_slice %arg5[%dma_wait3A_80, %dma_wait3A_81] : memref<26x512xf32, #tpu.memory_space<vmem>> -> memref<26x256xf32, #tpu.memory_space<vmem>>
    tpu.wait_dma2 semaphore(%arg6 : memref<!tpu.dma_semaphore, #tpu.memory_space<semaphore_mem>>) src(%dma_wait3A_82 : memref<26x256xf32, #tpu.memory_space<vmem>>) dst(%dma_wait3A_79 : memref<26x256xf32, #tpu.memory_space<hbm>>)
    return
  }
}

</mosaic_0001>

<sc_bundles>
// kernel: kernel.3.cloned.1.call-start
scs
__scs_entry_jumppad:
0x0: {  	(pc) =	sbr.rel $0x88, $3  }
0x1: {  	(tag) =	ssettag $0x0;
	lr =	simm.s32 $0x1  }
0x2: {  	[smem:$0x3FA0] =	sst lr;
	_ =	strace $0xD0000000  }
0x3: {  	_ = 	snop  }
0x4: {  	_ = 	snop  }
0x5: {  	_ = 	snop  }
0x6: {  	_ = 	snop  }
0x7: {  	_ = 	snop  }
__scs_overlays_trampoline_lowered:
0x8: {  	[smem:$0x3FAF] =	sst s0  }
0x9: {  	[smem:$0x3FB0] =	sst s1  }
0xa: {  	[smem:$0x3FB1] =	sst s2  }
0xb: {  	[smem:$0x3FB2] =	sst s3  }
0xc: {  	[smem:$0x3FB3] =	sst s4  }
0xd: {  	[smem:$0x3FB4] =	sst s5  }
0xe: {  	[smem:$0x3FB5] =	sst s6  }
0xf: {  	[smem:$0x3FB6] =	sst s7  }
0x10: {  	[smem:$0x3FB7] =	sst s8  }
0x11: {  	[smem:$0x3FB8] =	sst s9;
	s0 =	simm.s32 @!p0 $0x0  }
0x12: {  	s1 =	sld [smem:$0x3F9E];
	s0 =	simm.s32 @p0 $0x1  }
0x13: {  	[smem:$0x3FB9] =	sst s0;
	s0 =	simm.s32 @!p1 $0x0  }
0x14: {  	s2 =	sld [smem:$0x3F9D];
	s0 =	simm.s32 @p1 $0x1  }
0x15: {  	[smem:$0x3FBA] =	sst s0;
	s0 =	simm.s32 @!p2 $0x0  }
0x16: {  	s3 =	sld [smem:$0x3FDB];
	s0 =	simm.s32 @p2 $0x1  }
0x17: {  	s4 =	simm.s32 $0x1BF5;
	[smem:$0x3FBC] =	sst s0  }
0x18: {  	s0 =	sld [smem:$0x3F9F];
	_ =	swait.ge [sflag:s4], $0x0  }
0x19: {  	s7 =	sld [smem:$0x3FA0]  }
0x1a: {  	s8 =	sadd.s32 $0xFFFFE003, lr  }
0x1b: {  	s9 =	sadd.s32 $0xFFFFFEF7, lr;
	s5 =	simm.s32 $0xFFFFFFFF;
	p2 =	slt.u32 s8, $0xFFFFF086  }
0x1c: {  	p1 =	slt.u32 s9, $0xF7A;
	s5 =	simm.s32 @!p2 $0x0  }
0x1d: {  	s5 =	simm.s32 @p1 $0x1;
	p0 =	seq.s32 s7, s2  }
0x1e: {  	s7 =	smul.u32 @!p0 $0xF7A, s2;
	p2 =	seq.s32 @!p0 s5, $0x0  }
0x1f: {  	s9 =	smul.u32 $0xF7A, s1;
	s8 =	simm.s32 @!p0 $0x1BF5;
	p2 =	por !p2, p0  }
0x20: {  	[sflag:s8] =	ssyncset.s32 @!p0 $0xFFFFF086;
	s6 =	sadd.s32 @!p0 s3, s7;
	s7 =	simm.s32 @!p0 $0x108  }
0x21: {  	s3 =	sadd.s32 s3, s9;
	s6 =	sadd.s32 @!p0 $0x88, s6;
	s7 =	simm.s32 @p2 $0x1082  }
0x22: {  	[simem:s7], [sflag:s8] =	dma.local @!p0 [hbm:s6], $0xF7A  }
0x23: {  	s9 =	sor.u32 $0xD0000000, s2;
	s6 =	simm.s32 $0x108;
	_ =	swait.ge @!p0 [sflag:s8], $0x0  }
0x24: {  	s3 =	sadd.s32 $0x88, s3;
	s6 =	simm.s32 @!p1 $0x1082;
	[sflag:s4] =	ssyncset.s32 $0xFFFFF086  }
0x25: {  	[simem:s6], [sflag:s4] =	dma.local [hbm:s3], $0xF7A  }
0x26: {  	[smem:$0x3FA0] =	sst s1;
	(tag) =	ssettag s2;
	_ =	strace s9  }
0x27: {  	s1 =	sld [smem:$0x3FB0]  }
0x28: {  	s2 =	sld [smem:$0x3FB1]  }
0x29: {  	s4 =	sld [smem:$0x3FB3]  }
0x2a: {  	p0 =	seq.s32 s5, $0x0;
	s5 =	sld [smem:$0x3FB4]  }
0x2b: {  	s6 =	sld [smem:$0x3FB5]  }
0x2c: {  	s7 =	sld [smem:$0x3FB6]  }
0x2d: {  	s3 =	simm.s32 $0x108;
	s8 =	sld [smem:$0x3FB7]  }
0x2e: {  	s3 =	simm.s32 @!p0 $0x1082;
	s9 =	sld [smem:$0x3FB8]  }
0x2f: {  	lr =	sadd.s32 s0, s3;
	s0 =	sld [smem:$0x3FAF]  }
0x30: {  	s3 =	sld [smem:$0x3FB2]  }
0x31: {  	[smem:$0x3FBB] =	sst s10  }
0x32: {  	s10 =	sld [smem:$0x3FB9];
	_ =	sdelay $0x3  }
0x33: {  	p0 =	seq.s32 s10, $0x1;
	s10 =	sld [smem:$0x3FBB];
	_ =	sdelay $0x3  }
0x34: {  	[smem:$0x3FBB] =	sst s10  }
0x35: {  	s10 =	sld [smem:$0x3FBA];
	_ =	sdelay $0x3  }
0x36: {  	p1 =	seq.s32 s10, $0x1;
	s10 =	sld [smem:$0x3FBB];
	_ =	sdelay $0x3  }
0x37: {  	[smem:$0x3FBB] =	sst s10  }
0x38: {  	s10 =	sld [smem:$0x3FBC]  }
0x39: {  	_ = 	snop;
	(pc) =	sbr.ind lr, $3  }
0x3a: {  	_ = 	snop  }
0x3b: {  	_ = 	snop  }
0x3c: {  	p2 =	seq.s32 s10, $0x1;
	s10 =	sld [smem:$0x3FBB]  }
0x3d: {  	_ =	shalt  }
0x3e: {  	_ =	shalt  }
0x3f: {  	_ =	shalt  }
0x40: {  	_ =	shalt  }
0x41: {  	_ =	shalt  }
0x42: {  	_ =	shalt  }
0x43: {  	_ =	shalt  }
0x44: {  	_ =	shalt  }
0x45: {  	_ =	shalt  }
0x46: {  	_ =	shalt  }
0x47: {  	_ =	shalt  }
0x48: {  	_ =	shalt  }
0x49: {  	_ =	shalt  }
0x4a: {  	_ =	shalt  }
0x4b: {  	_ =	shalt  }
0x4c: {  	_ =	shalt  }
0x4d: {  	_ =	shalt  }
0x4e: {  	_ =	shalt  }
0x4f: {  	_ =	shalt  }
0x50: {  	_ =	shalt  }
0x51: {  	_ =	shalt  }
0x52: {  	_ =	shalt  }
0x53: {  	_ =	shalt  }
0x54: {  	_ =	shalt  }
0x55: {  	_ =	shalt  }
0x56: {  	_ =	shalt  }
0x57: {  	_ =	shalt  }
0x58: {  	_ =	shalt  }
0x59: {  	_ =	shalt  }
0x5a: {  	_ =	shalt  }
0x5b: {  	_ =	shalt  }
0x5c: {  	_ =	shalt  }
0x5d: {  	_ =	shalt  }
0x5e: {  	_ =	shalt  }
0x5f: {  	_ =	shalt  }
0x60: {  	_ =	shalt  }
0x61: {  	_ =	shalt  }
0x62: {  	_ =	shalt  }
0x63: {  	_ =	shalt  }
0x64: {  	_ =	shalt  }
0x65: {  	_ =	shalt  }
0x66: {  	_ =	shalt  }
0x67: {  	_ =	shalt  }
0x68: {  	_ =	shalt  }
0x69: {  	_ =	shalt  }
0x6a: {  	_ =	shalt  }
0x6b: {  	_ =	shalt  }
0x6c: {  	_ =	shalt  }
0x6d: {  	_ =	shalt  }
0x6e: {  	_ =	shalt  }
0x6f: {  	_ =	shalt  }
0x70: {  	_ =	shalt  }
0x71: {  	_ =	shalt  }
0x72: {  	_ =	shalt  }
0x73: {  	_ =	shalt  }
0x74: {  	_ =	shalt  }
0x75: {  	_ =	shalt  }
0x76: {  	_ =	shalt  }
0x77: {  	_ =	shalt  }
0x78: {  	_ =	shalt  }
0x79: {  	_ =	shalt  }
0x7a: {  	_ =	shalt  }
0x7b: {  	_ =	shalt  }
0x7c: {  	_ =	shalt  }
0x7d: {  	_ =	shalt  }
0x7e: {  	_ =	shalt  }
0x7f: {  	_ =	shalt  }
0x80: {  	_ =	shalt  }
0x81: {  	_ =	shalt  }
0x82: {  	_ =	shalt  }
0x83: {  	_ =	shalt  }
0x84: {  	_ =	shalt  }
0x85: {  	_ =	shalt  }
0x86: {  	_ =	shalt  }
0x87: {  	_ =	shalt  }
.Lfunc_end0:
.L_simem_size_0:
called_computation_lowered:
.L_overlay_start_0:
0x88: {  	s2 =	sld [smem:$0x3FD9]  }
0x89: {  	s3 =	sld [smem:$0x3FFE];
	_ =	sdelay $0x1  }
0x8a: {  	s1 =	srdreg.scid  }
0x8b: {  	s0 =	sand.u32 $0x1, s1  }
0x8c: {  	s18 =	sshll.u32 s0, $0xA;
	s2 =	sadd.s32 s3, s2  }
0x8d: {  	s2 =	sadd.s32 s2, s18  }
0x8e: {  	[smem:$0x3FC7] =	sst s2  }
0x8f: {  	_ = 	snop  }
0x90: {  	s2 =	sld [smem:$0x3FC9]  }
0x91: {  	s19 =	sld [smem:$0x3FD0];
	(tm) =	ssettm $0x1  }
0x92: {  	s4 =	sld [smem:$0x3FFB];
	_ =	sdelay $0x3  }
0x93: {  	_ =	strace s4  }
0x94: {  	s4 =	sld [smem:$0x3FFC];
	_ =	sdelay $0x3  }
0x95: {  	_ =	strace s4  }
0x96: {  	s4 =	sld [smem:$0x3FFD];
	_ =	sdelay $0x3  }
0x97: {  	_ =	strace s4  }
0x98: {  	_ =	strace $0x8FFFFFFF  }
0x99: {  	s20 =	sld [smem:$0x3FDB];
	_ =	sdelay $0x1  }
0x9a: {  	s5 =	simm.s32 $_scs_section_size  }
0x9b: {  	s6 =	simm.s32 $_size__tile_overlayer_lowered;
	s7 =	simm.s32 $_tile_overlayer_lowered  }
0x9c: {  	s23 =	simm.s32 $0x1BFF;
	s22 =	sshll.u32 s7, $0x1;
	s4 =	sadd.s32 s5, s20  }
0x9d: {  	s8 =	simm.s32 $0x0;
	s21 =	sshll.u32 s6, $0x1;
	s6 =	sadd.s32 s22, s4  }
0x9e: {  	[timem:s8], [sflag:s23] =	dma.local [hbm:s6], s21  }
0x9f: {  	_ =	swait.ge [sflag:s23], s21  }
0xa0: {  	s5 =	ssub.s32 $0x0, s21;
	[sflag:s23] =	ssyncset.done $0x0  }
0xa1: {  	[sflag:s23] =	ssyncadd.s32 s5;
	_ =	sdelay $0x1  }
0xa2: {  	s24 =	simm.s32 $0x1B8B  }
0xa3: {  	_ =	swait.ge [sflag:s24], $0x1  }
0xa4: {  	[sflag:s24] =	ssyncset.done $0x0  }
0xa5: {  	s25 =	simm.s32 $0x1B8E;
	[sflag:s24] =	ssyncadd.s32 $0xFFFFFFFF  }
0xa6: {  	s26 =	simm.s32 $execute0_lowered;
	[smem:$0x3FD2] =	sst s25  }
0xa7: {  	s5 =	sshll.u32 s26, $0x1;
	_ =	strace $0x80000046;
	[dreg:$0x1] =	wrdreg $0xFFFFFFFF  }
0xa8: {  	s28 =	simm.s32 $_size_execute0_lowered;
	s4 =	sadd.s32 s4, s5;
	[dreg:$0x0] =	wrdreg $0x0  }
0xa9: {  	s5 =	sshll.u32 s28, $0x1;
	[dreg:$0x2] =	wrdreg s4  }
0xaa: {  	[dreg:$0x3] =	wrdreg s5  }
0xab: {  	[dreg:$0x4] =	wrdreg $0xC0  }
0xac: {  	_ =	task [dreg:s8], $0x5FFFF  }
0xad: {  	[dreg:$0x1] =	wrdreg $0xFFFFFFFF  }
0xae: {  	[dreg:$0x0] =	wrdreg $0x60  }
0xaf: {  	[dreg:$0x2] =	wrdreg s2  }
0xb0: {  	[dreg:$0x3] =	wrdreg s19  }
0xb1: {  	[dreg:$0x4] =	wrdreg $0x9  }
0xb2: {  	_ =	task.clear_ibuf [dreg:s8], $0x5FFFF;
	_ =	strace $0x90000046  }
0xb3: {  	s29 =	simm.s32 $0x9;
	_ =	strace $0x80000048  }
0xb4: {  	_ =	swait.ge [sflag:s29], $0x1  }
0xb5: {  	[sflag:s29] =	ssyncadd.s32 $0xFFFFFFFF  }
0xb6: {  	_ =	strace $0x90000048  }
0xb7: {  	_ =	sfence  }
0xb8: {  	s30 =	sld [smem:$0x0];
	_ =	sdelay $0x2  }
0xb9: {  	s31 =	sshll.u32 s1, $0xD;
	s1 =	sshrl.u32 s1, $0x2  }
0xba: {  	s3 =	sand.u32 $0x4000, s31;
	s1 =	sadd.s32 s1, s30  }
0xbb: {  	s0 =	sor.u32 s3, s0;
	s1 =	sshll.u32 s1, $0x11  }
0xbc: {  	s0 =	sor.u32 s1, s0  }
0xbd: {  	s0 =	sadd.s32 $0x8F2B, s0  }
0xbe: {  	[sflag:s0] =	ssyncadd.remote.s32 $0x1  }
0xbf: {  	_ =	sfence.sel $0xFFFF  }
0xc0: {  	[dreg:$0x0] =	wrdreg $0xFFFFFFFF;
	(pc) =	sbr.abs _section_cstart, $3  }
0xc1: {  	[dreg:$0x1] =	wrdreg $0xFFFFFFFF  }
0xc2: {  	_ =	task.clear_ibuf [dreg:s8], $0x2FFFF;
	_ =	strace $0x9FFFFFFF  }
0xc3: {  	(tm) =	ssettm $0x7FFFFFFF  }
tec
execute0_lowered:
.L_overlay_start_1:
0x0: {  	(tag) =	ssettag $0x1  }
0x1: {  	s4 =	rddreg [dreg:$0x0]  }
0x2: {  	s6 =	rddreg [dreg:$0x1]  }
0x3: {  	s2 =	srdreg.scid;
	s1 =	stileid.u32  }
0x4: {  	s10 =	simm.s32 $0x200;
	s12 =	simm.s32 $0x1200;
	s14 =	simm.s32 $0x2200  }
0x5: {  	s16 =	simm.s32 $0x3200;
	s17 =	simm.s32 $0x3;
	s18 =	simm.s32 $0xA00  }
0x6: {  	s19 =	simm.s32 $0x1A00;
	s20 =	simm.s32 $0x2A00;
	s21 =	simm.s32 $0x3A00  }
0x7: {  	s22 =	simm.s32 $0x1;
	s23 =	simm.s32 $0x0;
	s3 =	sand.u32 $0x1, s2  }
0x8: {  	s2 =	simm.s32 $0x0;
	s5 =	sshll.u32 s1, $0xA;
	s7 =	sshll.u32 s3, $0x9  }
0x9: {  	[smem:$0x7FF] =	sst s2;
	s3 =	ssub.s32 $0x2, s3;
	s5 =	sor.u32 s7, s5  }
0xa: {  	_ =	strace $0x80000047;
	s8 =	sshrl.u32 s3, $0x1;
	s7 =	sshrl.u32 s5, $0x7  }
0xb: {  	s9 =	sshrl.u32 s5, $0x3;
	s8 =	ssub.s32 s3, s8;
	s5 =	sadd.s32 s6, s5  }
0xc: {  	s7 =	sor.u32 $0x2, s7;
	s3 =	sadd.s32 s4, s9;
	s9 =	simm.s32 $0x2  }
0xd: {  	s11 =	sadd.s32 $0x4000, s5;
	s13 =	sadd.s32 $0x8000, s5;
	s31 =	sshll.u32 s7, $0x4  }
0xe: {  	s15 =	sadd.s32 $0xC000, s5;
	s7 =	sshll.u32 s7, $0x7;
	s4 =	sadd.s32 s4, s31  }
0xf: {  	v0 =	vimm.f32 $0.0e+00;
	s6 =	sadd.s32 s6, s7;
	s7 =	smax.u32 s8, $0x1;
	s8 =	simm.s32 $0x100  }
.LBB2_1:
0x10: {  	[tilespmem:s2], [sflag:$0x2] =	stream.linear.gather [hbm4b:s3+s2], $0x100, $0x38;
	[tilespmem:$0x4200] =	vst v63  }
0x11: {  	_ = 	snop  }
0x12: {  	[tilespmem:s8], [sflag:$0x3] =	stream.linear.gather [hbm4b:s4+s2], $0x100, $0x38;
	[tilespmem:$0x4200] =	vst v63  }
0x13: {  	_ =	swait.ge [sflag:s9], $0x100  }
0x14: {  	[sflag:s9] =	ssyncset.done $0x0  }
0x15: {  	[sflag:s9] =	ssyncadd.s32 $0xFFFFFF00  }
0x16: {  	v1 =	vld [tilespmem:s2+$0x0];
	_ =	sdelay $0x4  }
0x17: {  	s24 =	sand.u32 $0x70, s2;
	s25 =	sand.u32 $0x400, s2;
	vm0 =	veq.s32 v1, $0x0;
	vm1 =	veq.s32 v1, $0x1;
	vm2 =	veq.s32 v1, $0x6  }
0x18: {  	s24 =	sor.u32 s24, s25;
	v2 =	vsel vm0, $0x3F800000, v0;
	v3 =	vsel vm1, $0x3F800000, v0;
	vm0 =	veq.s32 v1, $0x3  }
0x19: {  	s26 =	simm.s32 $0x10;
	vm1 =	veq.s32 v1, $0x2;
	[tilespmem:s24+$0x200] =	vst v2;
	v4 =	vsel vm0, $0x3F800000, v0;
	v2 =	vsel vm2, $0x3F800000, v0  }
0x1a: {  	s28 =	simm.s32 $0x0;
	s29 =	simm.s32 $0x0;
	s25 =	sor.u32 s2, s2;
	[tilespmem:s24+$0x280] =	vst v3;
	v3 =	vsel vm1, $0x3F800000, v0;
	vm1 =	veq.s32 v1, $0x4;
	vm0 =	veq.s32 v1, $0x5  }
.LBB2_2:
0x1b: {  	p0 =	sne.s32 s26, $0xF0;
	[tilespmem:s24+$0x380] =	vst v4;
	v4 =	vsel vm1, $0x3F800000, v0;
	v5 =	vsel vm0, $0x3F800000, v0;
	vm0 =	veq.s32 v1, $0x7;
	s28 =	sadd.s32 $0x80, s28;
	s29 =	sadd.s32 $0x10, s29  }
0x1c: {  	vm1 =	veq.s32 v1, $0x8;
	vm5 =	veq.s32 v1, $0xA;
	vm6 =	veq.s32 v1, $0x19;
	s30 =	smov.u32 s26;
	s31 =	sor.u32 s28, s26;
	[tilespmem:s24+$0x300] =	vst v3;
	s26 =	sadd.s32 $0x10, s26  }
0x1d: {  	vm12 =	veq.s32 v1, $0x9;
	vm9 =	veq.s32 v1, $0x17;
	vm14 =	veq.s32 v1, $0x18;
	[tilespmem:s24+$0x500] =	vst v2  }
0x1e: {  	vm2 =	veq.s32 v1, $0x14;
	vm8 =	veq.s32 v1, $0x15;
	vm13 =	veq.s32 v1, $0x16;
	[tilespmem:s24+$0x400] =	vst v4  }
0x1f: {  	s0 =	sor.u32 $0x380, s25;
	vm4 =	veq.s32 v1, $0x12;
	vm11 =	veq.s32 v1, $0x13;
	v2 =	vsel vm0, $0x3F800000, v0;
	s25 =	smov.u32 s31;
	[tilespmem:s24+$0x480] =	vst v5  }
0x20: {  	vm3 =	veq.s32 v1, $0x10;
	vm10 =	veq.s32 v1, $0x11;
	[tilespmem:s0+$0x200] =	vst v2;
	v2 =	vsel vm1, $0x3F800000, v0  }
0x21: {  	vm7 =	veq.s32 v1, $0xF;
	vm1 =	veq.s32 v1, $0xE;
	[tilespmem:s24+$0x1200] =	vst v2;
	v2 =	vsel vm6, $0x3F800000, v0  }
0x22: {  	v3 =	vsel vm5, $0x3F800000, v0;
	vm0 =	veq.s32 v1, $0xB;
	vm6 =	veq.s32 v1, $0xD;
	[tilespmem:s24+$0x3280] =	vst v2  }
0x23: {  	vm5 =	veq.s32 v1, $0xC;
	v1 =	vsel vm14, $0x3F800000, v0;
	[tilespmem:s24+$0x1300] =	vst v3  }
0x24: {  	v2 =	vsel vm12, $0x3F800000, v0;
	[tilespmem:s24+$0x3200] =	vst v1  }
0x25: {  	v1 =	vsel vm9, $0x3F800000, v0;
	[tilespmem:s24+$0x1280] =	vst v2  }
0x26: {  	v2 =	vsel vm13, $0x3F800000, v0;
	[tilespmem:s24+$0x2580] =	vst v1  }
0x27: {  	v1 =	vsel vm8, $0x3F800000, v0;
	[tilespmem:s24+$0x2500] =	vst v2  }
0x28: {  	v2 =	vsel vm2, $0x3F800000, v0;
	[tilespmem:s24+$0x2480] =	vst v1  }
0x29: {  	v1 =	vsel vm11, $0x3F800000, v0;
	[tilespmem:s24+$0x2400] =	vst v2  }
0x2a: {  	v2 =	vsel vm4, $0x3F800000, v0;
	[tilespmem:s24+$0x2380] =	vst v1  }
0x2b: {  	v1 =	vsel vm10, $0x3F800000, v0;
	[tilespmem:s24+$0x2300] =	vst v2  }
0x2c: {  	v2 =	vsel vm3, $0x3F800000, v0;
	[tilespmem:s24+$0x2280] =	vst v1  }
0x2d: {  	v1 =	vsel vm7, $0x3F800000, v0;
	[tilespmem:s24+$0x2200] =	vst v2  }
0x2e: {  	v2 =	vsel vm1, $0x3F800000, v0;
	[tilespmem:s24+$0x1580] =	vst v1  }
0x2f: {  	v1 =	vsel vm6, $0x3F800000, v0;
	[tilespmem:s24+$0x1500] =	vst v2  }
0x30: {  	v3 =	vsel vm5, $0x3F800000, v0;
	v2 =	vsel vm0, $0x3F800000, v0;
	[tilespmem:s24+$0x1480] =	vst v1  }
0x31: {  	[tilespmem:s24+$0x1400] =	vst v3  }
0x32: {  	[tilespmem:s24+$0x1380] =	vst v2  }
0x33: {  	v1 =	vld [tilespmem:s29+$0x0];
	_ =	sdelay $0x3  }
.Ltmp0:
0x34: {  	(pc) =	sbr.rel @p0 .LBB2_2-.Ltmp0, $4  }
0x35: {  	s0 =	sand.u32 $0x70, s30;
	s24 =	sand.u32 $0x400, s28;
	vm0 =	veq.s32 v1, $0x0;
	vm1 =	veq.s32 v1, $0x1;
	vm2 =	veq.s32 v1, $0x6  }
0x36: {  	s24 =	sor.u32 s0, s24;
	v2 =	vsel vm0, $0x3F800000, v0;
	v3 =	vsel vm1, $0x3F800000, v0;
	vm0 =	veq.s32 v1, $0x3  }
0x37: {  	vm1 =	veq.s32 v1, $0x2;
	[tilespmem:s24+$0x200] =	vst v2;
	v4 =	vsel vm0, $0x3F800000, v0;
	v2 =	vsel vm2, $0x3F800000, v0  }
0x38: {  	vm0 =	veq.s32 v1, $0x5;
	[tilespmem:s24+$0x280] =	vst v3;
	v3 =	vsel vm1, $0x3F800000, v0;
	vm1 =	veq.s32 v1, $0x4  }
0x39: {  	[tilespmem:s24+$0x380] =	vst v4  }
0x3a: {  	[tilespmem:s24+$0x300] =	vst v3  }
0x3b: {  	v3 =	vsel vm1, $0x3F800000, v0;
	[tilespmem:s24+$0x500] =	vst v2  }
0x3c: {  	v2 =	vsel vm0, $0x3F800000, v0;
	vm0 =	veq.s32 v1, $0x7;
	[tilespmem:s24+$0x400] =	vst v3  }
0x3d: {  	vm1 =	veq.s32 v1, $0x8;
	s0 =	sor.u32 $0x380, s25;
	[tilespmem:s24+$0x480] =	vst v2;
	v2 =	vsel vm0, $0x3F800000, v0  }
0x3e: {  	vm0 =	veq.s32 v1, $0x19;
	[tilespmem:s0+$0x200] =	vst v2;
	v2 =	vsel vm1, $0x3F800000, v0  }
0x3f: {  	vm1 =	veq.s32 v1, $0xA;
	[tilespmem:s24+$0x1200] =	vst v2;
	v2 =	vsel vm0, $0x3F800000, v0  }
0x40: {  	vm0 =	veq.s32 v1, $0x18;
	v3 =	vsel vm1, $0x3F800000, v0;
	[tilespmem:s24+$0x3280] =	vst v2  }
0x41: {  	vm1 =	veq.s32 v1, $0x9;
	[tilespmem:s24+$0x1300] =	vst v3;
	v2 =	vsel vm0, $0x3F800000, v0  }
0x42: {  	vm0 =	veq.s32 v1, $0x17;
	v3 =	vsel vm1, $0x3F800000, v0;
	[tilespmem:s24+$0x3200] =	vst v2  }
0x43: {  	vm1 =	veq.s32 v1, $0x16;
	[tilespmem:s24+$0x1280] =	vst v3;
	v2 =	vsel vm0, $0x3F800000, v0  }
0x44: {  	vm0 =	veq.s32 v1, $0x15;
	v3 =	vsel vm1, $0x3F800000, v0;
	[tilespmem:s24+$0x2580] =	vst v2  }
0x45: {  	vm1 =	veq.s32 v1, $0x14;
	v2 =	vsel vm0, $0x3F800000, v0;
	[tilespmem:s24+$0x2500] =	vst v3  }
0x46: {  	vm0 =	veq.s32 v1, $0x13;
	v3 =	vsel vm1, $0x3F800000, v0;
	[tilespmem:s24+$0x2480] =	vst v2  }
0x47: {  	vm1 =	veq.s32 v1, $0x12;
	v2 =	vsel vm0, $0x3F800000, v0;
	[tilespmem:s24+$0x2400] =	vst v3  }
0x48: {  	vm0 =	veq.s32 v1, $0x11;
	v3 =	vsel vm1, $0x3F800000, v0;
	[tilespmem:s24+$0x2380] =	vst v2  }
0x49: {  	vm1 =	veq.s32 v1, $0x10;
	v2 =	vsel vm0, $0x3F800000, v0;
	[tilespmem:s24+$0x2300] =	vst v3  }
0x4a: {  	vm0 =	veq.s32 v1, $0xF;
	v3 =	vsel vm1, $0x3F800000, v0;
	[tilespmem:s24+$0x2280] =	vst v2  }
0x4b: {  	vm1 =	veq.s32 v1, $0xE;
	v2 =	vsel vm0, $0x3F800000, v0;
	[tilespmem:s24+$0x2200] =	vst v3  }
0x4c: {  	vm0 =	veq.s32 v1, $0xD;
	v3 =	vsel vm1, $0x3F800000, v0;
	[tilespmem:s24+$0x1580] =	vst v2  }
0x4d: {  	vm1 =	veq.s32 v1, $0xC;
	v2 =	vsel vm0, $0x3F800000, v0;
	[tilespmem:s24+$0x1500] =	vst v3  }
0x4e: {  	vm0 =	veq.s32 v1, $0xB;
	v1 =	vsel vm1, $0x3F800000, v0;
	[tilespmem:s24+$0x1480] =	vst v2  }
0x4f: {  	v2 =	vsel vm0, $0x3F800000, v0;
	[tilespmem:s24+$0x1400] =	vst v1  }
0x50: {  	[tilespmem:s24+$0x1380] =	vst v2  }
0x51: {  	[hbm4b:s5+s2] =	stream.linear.scatter [tilespmem:s10], [sflag:$0x1], $0x800, $0x38;
	[tilespmem:$0x4200] =	vst v63  }
0x52: {  	_ = 	snop  }
0x53: {  	[hbm4b:s11+s2] =	stream.linear.scatter [tilespmem:s12], [sflag:$0x1], $0x800, $0x38;
	[tilespmem:$0x4200] =	vst v63  }
0x54: {  	_ = 	snop  }
0x55: {  	[hbm4b:s13+s2] =	stream.linear.scatter [tilespmem:s14], [sflag:$0x1], $0x800, $0x38;
	[tilespmem:$0x4200] =	vst v63  }
0x56: {  	_ = 	snop  }
0x57: {  	[hbm4b:s15+s2] =	stream.linear.scatter [tilespmem:s16], [sflag:$0x1], $0x800, $0x38;
	[tilespmem:$0x4200] =	vst v63  }
0x58: {  	_ =	swait.ge [sflag:s17], $0x100  }
0x59: {  	[sflag:s17] =	ssyncset.done $0x0  }
0x5a: {  	s25 =	simm.s32 $0x100;
	[sflag:s17] =	ssyncadd.s32 $0xFFFFFF00  }
0x5b: {  	v1 =	vld [tilespmem:s25+$0x0];
	_ =	sdelay $0x3  }
0x5c: {  	s26 =	simm.s32 $0x800  }
0x5d: {  	s30 =	sand.u32 $0x70, s25;
	s31 =	sand.u32 $0xC00, s26;
	vm0 =	veq.s32 v1, $0x0;
	vm1 =	veq.s32 v1, $0x1;
	vm2 =	veq.s32 v1, $0x6  }
0x5e: {  	s24 =	sor.u32 s30, s31;
	v2 =	vsel vm0, $0x3F800000, v0;
	v4 =	vsel vm1, $0x3F800000, v0;
	vm0 =	veq.s32 v1, $0x3  }
0x5f: {  	vm1 =	veq.s32 v1, $0x2;
	[tilespmem:s24+$0x200] =	vst v2;
	v3 =	vsel vm0, $0x3F800000, v0;
	v2 =	vsel vm2, $0x3F800000, v0  }
0x60: {  	s29 =	simm.s32 $0x110;
	s28 =	sor.u32 s26, s25;
	[tilespmem:s24+$0x280] =	vst v4;
	v4 =	vsel vm1, $0x3F800000, v0;
	vm1 =	veq.s32 v1, $0x4;
	vm0 =	veq.s32 v1, $0x5  }
.LBB2_4:
0x61: {  	p0 =	sne.s32 s29, $0x1F0;
	[tilespmem:s24+$0x380] =	vst v3;
	v3 =	vsel vm1, $0x3F800000, v0;
	v5 =	vsel vm0, $0x3F800000, v0;
	vm0 =	veq.s32 v1, $0x7;
	s26 =	sadd.s32 $0x80, s26;
	s25 =	sadd.s32 $0x10, s25  }
0x62: {  	vm1 =	veq.s32 v1, $0x8;
	vm5 =	veq.s32 v1, $0xA;
	vm6 =	veq.s32 v1, $0x19;
	s30 =	smov.u32 s29;
	s0 =	sor.u32 s26, s29;
	[tilespmem:s24+$0x300] =	vst v4;
	s29 =	sadd.s32 $0x10, s29  }
0x63: {  	vm12 =	veq.s32 v1, $0x9;
	vm9 =	veq.s32 v1, $0x17;
	vm14 =	veq.s32 v1, $0x18;
	[tilespmem:s24+$0x500] =	vst v2  }
0x64: {  	vm2 =	veq.s32 v1, $0x14;
	vm8 =	veq.s32 v1, $0x15;
	vm13 =	veq.s32 v1, $0x16;
	[tilespmem:s24+$0x400] =	vst v3  }
0x65: {  	s31 =	sor.u32 $0x380, s28;
	vm4 =	veq.s32 v1, $0x12;
	vm11 =	veq.s32 v1, $0x13;
	v2 =	vsel vm0, $0x3F800000, v0;
	s28 =	smov.u32 s0;
	[tilespmem:s24+$0x480] =	vst v5  }
0x66: {  	vm3 =	veq.s32 v1, $0x10;
	vm10 =	veq.s32 v1, $0x11;
	[tilespmem:s31+$0x200] =	vst v2;
	v2 =	vsel vm1, $0x3F800000, v0  }
0x67: {  	vm7 =	veq.s32 v1, $0xF;
	vm1 =	veq.s32 v1, $0xE;
	[tilespmem:s24+$0x1200] =	vst v2;
	v2 =	vsel vm6, $0x3F800000, v0  }
0x68: {  	vm0 =	veq.s32 v1, $0xB;
	v3 =	vsel vm5, $0x3F800000, v0;
	vm6 =	veq.s32 v1, $0xD;
	[tilespmem:s24+$0x3280] =	vst v2  }
0x69: {  	vm5 =	veq.s32 v1, $0xC;
	v1 =	vsel vm14, $0x3F800000, v0;
	[tilespmem:s24+$0x1300] =	vst v3  }
0x6a: {  	v2 =	vsel vm12, $0x3F800000, v0;
	[tilespmem:s24+$0x3200] =	vst v1  }
0x6b: {  	v1 =	vsel vm9, $0x3F800000, v0;
	[tilespmem:s24+$0x1280] =	vst v2  }
0x6c: {  	v2 =	vsel vm13, $0x3F800000, v0;
	[tilespmem:s24+$0x2580] =	vst v1  }
0x6d: {  	v1 =	vsel vm8, $0x3F800000, v0;
	[tilespmem:s24+$0x2500] =	vst v2  }
0x6e: {  	v2 =	vsel vm2, $0x3F800000, v0;
	[tilespmem:s24+$0x2480] =	vst v1  }
0x6f: {  	v1 =	vsel vm11, $0x3F800000, v0;
	[tilespmem:s24+$0x2400] =	vst v2  }
0x70: {  	v2 =	vsel vm4, $0x3F800000, v0;
	[tilespmem:s24+$0x2380] =	vst v1  }
0x71: {  	v1 =	vsel vm10, $0x3F800000, v0;
	[tilespmem:s24+$0x2300] =	vst v2  }
0x72: {  	v2 =	vsel vm3, $0x3F800000, v0;
	[tilespmem:s24+$0x2280] =	vst v1  }
0x73: {  	v1 =	vsel vm7, $0x3F800000, v0;
	[tilespmem:s24+$0x2200] =	vst v2  }
0x74: {  	v2 =	vsel vm1, $0x3F800000, v0;
	[tilespmem:s24+$0x1580] =	vst v1  }
0x75: {  	v1 =	vsel vm6, $0x3F800000, v0;
	[tilespmem:s24+$0x1500] =	vst v2  }
0x76: {  	v3 =	vsel vm5, $0x3F800000, v0;
	v2 =	vsel vm0, $0x3F800000, v0;
	[tilespmem:s24+$0x1480] =	vst v1  }
0x77: {  	[tilespmem:s24+$0x1400] =	vst v3  }
0x78: {  	[tilespmem:s24+$0x1380] =	vst v2  }
0x79: {  	v1 =	vld [tilespmem:s25+$0x0];
	_ =	sdelay $0x3  }
.Ltmp1:
0x7a: {  	(pc) =	sbr.rel @p0 .LBB2_4-.Ltmp1, $4  }
0x7b: {  	s0 =	sand.u32 $0x70, s30;
	s24 =	sand.u32 $0xC00, s26;
	vm0 =	veq.s32 v1, $0x0;
	vm1 =	veq.s32 v1, $0x1;
	vm2 =	veq.s32 v1, $0x6  }
0x7c: {  	s24 =	sor.u32 s0, s24;
	v2 =	vsel vm0, $0x3F800000, v0;
	v4 =	vsel vm1, $0x3F800000, v0;
	vm0 =	veq.s32 v1, $0x3  }
0x7d: {  	vm1 =	veq.s32 v1, $0x2;
	[tilespmem:s24+$0x200] =	vst v2;
	v3 =	vsel vm0, $0x3F800000, v0;
	v2 =	vsel vm2, $0x3F800000, v0  }
0x7e: {  	vm0 =	veq.s32 v1, $0x5;
	[tilespmem:s24+$0x280] =	vst v4;
	v4 =	vsel vm1, $0x3F800000, v0;
	vm1 =	veq.s32 v1, $0x4  }
0x7f: {  	[tilespmem:s24+$0x380] =	vst v3  }
0x80: {  	[tilespmem:s24+$0x300] =	vst v4  }
0x81: {  	v3 =	vsel vm1, $0x3F800000, v0;
	[tilespmem:s24+$0x500] =	vst v2  }
0x82: {  	v2 =	vsel vm0, $0x3F800000, v0;
	vm9 =	veq.s32 v1, $0x7;
	[tilespmem:s24+$0x400] =	vst v3  }
0x83: {  	vm10 =	veq.s32 v1, $0x8;
	s0 =	sor.u32 $0x380, s28;
	[tilespmem:s24+$0x480] =	vst v2;
	v2 =	vsel vm9, $0x3F800000, v0  }
0x84: {  	vm12 =	veq.s32 v1, $0xA;
	[tilespmem:s0+$0x200] =	vst v2;
	v2 =	vsel vm10, $0x3F800000, v0  }
0x85: {  	vm11 =	veq.s32 v1, $0x19;
	vm13 =	veq.s32 v1, $0x18;
	v3 =	vsel vm12, $0x3F800000, v0;
	[tilespmem:s24+$0x1200] =	vst v2  }
0x86: {  	vm14 =	veq.s32 v1, $0x9;
	vm15 =	veq.s32 v1, $0x17;
	v2 =	vsel vm11, $0x3F800000, v0;
	[tilespmem:s24+$0x1300] =	vst v3  }
0x87: {  	vm4 =	veq.s32 v1, $0x16;
	vm5 =	veq.s32 v1, $0x15;
	v3 =	vsel vm14, $0x3F800000, v0;
	[tilespmem:s24+$0x3280] =	vst v2  }
0x88: {  	vm6 =	veq.s32 v1, $0x14;
	vm7 =	veq.s32 v1, $0x13;
	v2 =	vsel vm13, $0x3F800000, v0;
	[tilespmem:s24+$0x1280] =	vst v3  }
0x89: {  	vm8 =	veq.s32 v1, $0x12;
	vm9 =	veq.s32 v1, $0x11;
	v3 =	vsel vm4, $0x3F800000, v0;
	[tilespmem:s24+$0x3200] =	vst v2  }
0x8a: {  	vm12 =	veq.s32 v1, $0xE;
	vm10 =	veq.s32 v1, $0x10;
	v2 =	vsel vm15, $0x3F800000, v0;
	[tilespmem:s24+$0x2500] =	vst v3  }
0x8b: {  	vm11 =	veq.s32 v1, $0xF;
	vm14 =	veq.s32 v1, $0xC;
	v3 =	vsel vm6, $0x3F800000, v0;
	[tilespmem:s24+$0x2580] =	vst v2  }
0x8c: {  	vm13 =	veq.s32 v1, $0xD;
	vm15 =	veq.s32 v1, $0xB;
	v1 =	vsel vm14, $0x3F800000, v0;
	[tilespmem:s24+$0x2400] =	vst v3  }
0x8d: {  	v2 =	vsel vm5, $0x3F800000, v0;
	[tilespmem:s24+$0x1400] =	vst v1  }
0x8e: {  	v3 =	vsel vm8, $0x3F800000, v0;
	[tilespmem:s24+$0x2480] =	vst v2  }
0x8f: {  	v2 =	vsel vm7, $0x3F800000, v0;
	[tilespmem:s24+$0x2300] =	vst v3  }
0x90: {  	v3 =	vsel vm10, $0x3F800000, v0;
	[tilespmem:s24+$0x2380] =	vst v2  }
0x91: {  	v2 =	vsel vm9, $0x3F800000, v0;
	[tilespmem:s24+$0x2200] =	vst v3  }
0x92: {  	v3 =	vsel vm12, $0x3F800000, v0;
	[tilespmem:s24+$0x2280] =	vst v2  }
0x93: {  	v2 =	vsel vm11, $0x3F800000, v0;
	[tilespmem:s24+$0x1500] =	vst v3  }
0x94: {  	[tilespmem:s24+$0x1580] =	vst v2;
	v2 =	vsel vm13, $0x3F800000, v0  }
0x95: {  	[tilespmem:s24+$0x1480] =	vst v2;
	v2 =	vsel vm15, $0x3F800000, v0  }
0x96: {  	[tilespmem:s24+$0x1380] =	vst v2  }
0x97: {  	[hbm4b:s6+s2] =	stream.linear.scatter [tilespmem:s18], [sflag:$0x1], $0x800, $0x38;
	[tilespmem:$0x4200] =	vst v63  }
0x98: {  	s29 =	sadd.s32 $0x4000, s6  }
0x99: {  	[hbm4b:s29+s2] =	stream.linear.scatter [tilespmem:s19], [sflag:$0x1], $0x800, $0x38;
	[tilespmem:$0x4200] =	vst v63  }
0x9a: {  	s30 =	sadd.s32 $0x8000, s6  }
0x9b: {  	[hbm4b:s30+s2] =	stream.linear.scatter [tilespmem:s20], [sflag:$0x1], $0x800, $0x38;
	[tilespmem:$0x4200] =	vst v63  }
0x9c: {  	s31 =	sadd.s32 $0xC000, s6;
	s23 =	sadd.s32 $0x1, s23  }
0x9d: {  	[hbm4b:s31+s2] =	stream.linear.scatter [tilespmem:s21], [sflag:$0x1], $0x800, $0x38;
	[tilespmem:$0x4200] =	vst v63  }
0x9e: {  	p0 =	sne.s32 s23, s7;
	_ =	swait.ge [sflag:s22], $0x2000  }
.Ltmp2:
0x9f: {  	[sflag:s22] =	ssyncset.done $0x0;
	(pc) =	sbr.rel @p0 .LBB2_1-.Ltmp2, $4  }
0xa0: {  	[sflag:s22] =	ssyncadd.s32 $0xFFFFE000  }
0xa1: {  	_ =	swait.ge [sflag:s22], $0x2000  }
0xa2: {  	[sflag:s22] =	ssyncset.done $0x0  }
0xa3: {  	[sflag:s22] =	ssyncadd.s32 $0xFFFFE000  }
0xa4: {  	_ =	sfence.sel $0x180000  }
0xa5: {  	[bflag:$0x0] =	sbarrier.arrive $0xFFFF  }
0xa6: {  	_ =	strace $0x90000047  }
0xa7: {  	[bflag:$0x2] =	sbarrier.arrive $0xFFFF  }
0xa8: {  	p0 =	sne.s32 s1, $0x0;
	s0 =	rddreg [dreg:$0x2]  }
0xa9: {  	s0 =	sadd.s32 @!p0 $0x100000, s0  }
0xaa: {  	[sflag:s0] =	ssyncadd.tile.s32 @!p0 $0x1;
	_ =	shalt  }
.Lfunc_end2:
_tile_overlayer_lowered:
.L_overlay_start_2:
0xab: {  	(tag) =	ssettag $0x2  }
0xac: {  	s0 =	rddreg [dreg:$0x0];
	s2 =	stileid.u32  }
0xad: {  	s1 =	rddreg [dreg:$0x1];
	p0 =	sne.s32 s2, $0x0  }
0xae: {  	s3 =	rddreg [dreg:$0x2];
	[bflag:$0x3] =	sbarrier.arrive $0xFFFF;
	s2 =	simm.s32 @!p0 $0x1C04  }
0xaf: {  	[timem:s3], [sflag:s2] =	dma.local @!p0 [hbm:s0], s1  }
0xb0: {  	s0 =	simm.s32 @!p0 $0x4  }
0xb1: {  	_ =	swait.ge @!p0 [sflag:s0], s1  }
0xb2: {  	s1 =	ssub.s32 @!p0 $0x0, s1;
	[sflag:s0] =	ssyncset.done @!p0 $0x0  }
0xb3: {  	[sflag:s0] =	ssyncadd.s32 @!p0 s1  }
0xb4: {  	[bflag:$0x3] =	sbarrier.arrive $0xFFFF  }
0xb5: {  	_ =	shalt  }

</sc_bundles>
